<compile_context>
chip_gen: v7x
topology: tpu7x:2x2x1
jax: 0.10.2.dev20260603
libtpu: 0.0.44.dev20260713+nightly
codegen_flags: <defaults>
</compile_context>

<pallas_src>
import functools

import jax
import jax.numpy as jnp
from jax import lax
from jax.experimental import pallas as pl
from jax.experimental.pallas import tpu as pltpu
from jax.experimental.pallas import tpu_sc as plsc

_CAP_FRAC = 0.5
_L = 16


def _matvec_body(x_ref, w_ref, o_ref):
    r = lax.dot_general(
        x_ref[...], w_ref[...], (((1,), (0,)), ((), ())),
        precision=lax.Precision.DEFAULT,
        preferred_element_type=jnp.float32)
    o_ref[...] = r[:, 0:1]


def _router_logits(x2d, w):
    n, h = x2d.shape
    rows = 1024
    grid = n // rows
    wmat = jnp.tile(w[:, None], (1, 128))
    out = pl.pallas_call(
        _matvec_body,
        grid=(grid,),
        in_specs=[
            pl.BlockSpec((rows, h), lambda i: (i, 0)),
            pl.BlockSpec((h, 128), lambda i: (0, 0)),
        ],
        out_specs=pl.BlockSpec((rows, 1), lambda i: (i, 0)),
        out_shape=jax.ShapeDtypeStruct((n, 1), jnp.float32),
    )(x2d, wmat)
    return out.reshape(n)


def _splat(v, dtype):
    return jnp.full((_L,), v, dtype)


def _iota():
    return lax.broadcasted_iota(jnp.int32, (_L,), 0)


def _popcnt(m):
    return plsc.all_reduce_population_count(m)


def _take(v, idx_splat):
    return jnp.take(v, idx_splat)


def _to_scalar(v):
    return jnp.sum(jnp.where(_iota() == 0, v, _splat(0, v.dtype)))


def _make_sc_select(b, s, k):
    nchunks = s // _L
    group = 8
    ngroups = nchunks // group
    pos_bits = max(1, (s - 1).bit_length())
    mesh = plsc.VectorSubcoreMesh(core_axis_name="c", subcore_axis_name="s")

    @functools.partial(
        pl.kernel, mesh=mesh,
        compiler_params=pltpu.CompilerParams(needs_layout_passes=False,
                                             skip_device_barrier=True),
        out_type=jax.ShapeDtypeStruct((b, s), jnp.float32),
        scratch_types=[
            pltpu.VMEM((s,), jnp.float32),
            pltpu.VMEM((s,), jnp.uint32),
            pltpu.VMEM((256,), jnp.int32),
            pltpu.VMEM((s + _L,), jnp.int32),
            pltpu.VMEM((s + _L,), jnp.int32),
        ],
    )
    def sc_select(logits_hbm, mask_hbm, row_v, keys_v, hist_v, cbuf_v,
                  pbuf_v):
        wid = lax.axis_index("s") * 2 + lax.axis_index("c")

        @pl.when(wid < b)
        def _():
            pltpu.sync_copy(logits_hbm.at[wid], row_v)

            for ci in range(256 // _L):
                hist_v[pl.ds(ci * _L, _L)] = jnp.zeros((_L,), jnp.int32)

            ones_i = _splat(1, jnp.int32)

            @plsc.parallel_loop(0, nchunks, unroll=group)
            def _p1(ci):
                off = ci * _L
                v = row_v[pl.ds(off, _L)]
                u = lax.bitcast_convert_type(v, jnp.uint32)
                neg = u >= _splat(0x80000000, jnp.uint32)
                key = jnp.where(neg, ~u, u | _splat(0x80000000,
                                                    jnp.uint32))
                keys_v[pl.ds(off, _L)] = key
                idx = (key >> _splat(24, jnp.uint32)).astype(jnp.int32)
                plsc.addupdate_scatter(hist_v, [idx], ones_i)

            kvec = _splat(k, jnp.int32)
            cum = jnp.zeros((_L,), jnp.int32)
            bsp = jnp.zeros((_L,), jnp.int32)
            above = jnp.zeros((_L,), jnp.int32)
            for ci in range(255 // _L, -1, -1):
                h = hist_v[pl.ds(ci * _L, _L)]
                rs = jnp.cumsum(lax.rev(h, (0,)))
                tot = _take(rs, _splat(_L - 1, jnp.int32))
                hit = (cum + rs) >= kvec
                j0 = jnp.minimum(plsc.all_reduce_ffs(hit),
                                 _splat(_L - 1, jnp.int32))
                bin_in = _splat(_L - 1, jnp.int32) - j0
                b_cand = _splat(ci * _L, jnp.int32) + bin_in
                above_cand = cum + _take(rs, j0) - _take(h, bin_in)
                in_chunk = (cum < kvec) & ((cum + tot) >= kvec)
                bsp = jnp.where(in_chunk, b_cand, bsp)
                above = jnp.where(in_chunk, above_cand, above)
                cum = cum + tot
            need_b = kvec - above
            b_u = bsp.astype(jnp.uint32)

            @plsc.parallel_loop(0, nchunks, unroll=group,
                                carry=jnp.zeros((_L,), jnp.int32))
            def woff(ci, woff):
                off = ci * _L
                key = keys_v[pl.ds(off, _L)]
                m = (key >> _splat(24, jnp.uint32)) == b_u
                mi = jnp.where(m, ones_i, _splat(0, jnp.int32))
                pre = jnp.cumsum(mi) - mi
                dest = woff + pre
                plsc.store_scatter(cbuf_v, [dest],
                                   lax.bitcast_convert_type(
                                       key, jnp.int32), mask=m)
                pos = _splat(off, jnp.int32) + _iota()
                plsc.store_scatter(pbuf_v, [dest], pos, mask=m)
                return woff + _popcnt(m)
            mtot = _to_scalar(woff)
            nch = (mtot + (_L - 1)) // _L

            def count_ge_bucket(cand):
                def body(ci, cnt):
                    kv = lax.bitcast_convert_type(
                        cbuf_v[pl.ds(ci * _L, _L)], jnp.uint32)
                    valid = (_splat(0, jnp.int32) + ci * _L + _iota()) < woff
                    return cnt + _popcnt((kv >= cand) & valid)
                return lax.fori_loop(0, nch, body,
                                     jnp.zeros((_L,), jnp.int32))

            base_u = b_u << _splat(24, jnp.uint32)

            def bit4_body(i, tlow):
                sh = _splat(23, jnp.uint32) - jnp.full((_L,), i, jnp.uint32)
                cand = tlow | (_splat(1, jnp.uint32) << sh)
                cnt = count_ge_bucket(base_u | cand)
                return jnp.where(cnt >= need_b, cand, tlow)
            tlow = lax.fori_loop(0, 24, bit4_body,
                                 jnp.zeros((_L,), jnp.uint32))
            tv = base_u | tlow

            def count_gt_bucket():
                def body(ci, cnt):
                    kv = lax.bitcast_convert_type(
                        cbuf_v[pl.ds(ci * _L, _L)], jnp.uint32)
                    valid = (_splat(0, jnp.int32) + ci * _L + _iota()) < woff
                    return cnt + _popcnt((kv > tv) & valid)
                return lax.fori_loop(0, nch, body,
                                     jnp.zeros((_L,), jnp.int32))
            need_p = need_b - count_gt_bucket()

            def cnt_eq_le(pv):
                def body(ci, cnt):
                    kv = lax.bitcast_convert_type(
                        cbuf_v[pl.ds(ci * _L, _L)], jnp.uint32)
                    pp = pbuf_v[pl.ds(ci * _L, _L)]
                    valid = (_splat(0, jnp.int32) + ci * _L + _iota()) < woff
                    return cnt + _popcnt((kv == tv) & (pp <= pv) & valid)
                return lax.fori_loop(0, nch, body,
                                     jnp.zeros((_L,), jnp.int32))

            def posb_body(i, pv):
                sh = _splat(pos_bits - 1, jnp.int32) - jnp.full(
                    (_L,), i, jnp.int32)
                bit = _splat(1, jnp.int32) << sh
                trial = pv | (bit - ones_i)
                return jnp.where(cnt_eq_le(trial) >= need_p, pv, pv | bit)
            pv = lax.fori_loop(0, pos_bits, posb_body,
                               jnp.zeros((_L,), jnp.int32))

            @plsc.parallel_loop(0, nchunks, unroll=group)
            def _p5(ci):
                off = ci * _L
                kv = keys_v[pl.ds(off, _L)]
                pos = _splat(off, jnp.int32) + _iota()
                m = (kv > tv) | ((kv == tv) & (pos <= pv))
                row_v[pl.ds(off, _L)] = jnp.where(
                    m, _splat(1.0, jnp.float32),
                    _splat(0.0, jnp.float32))

            pltpu.sync_copy(row_v, mask_hbm.at[wid])

    return sc_select


def kernel(x, w):
    b, s, h = x.shape
    logits = _router_logits(x.reshape(b * s, h), w).reshape(b, s)
    capacity = int(s * _CAP_FRAC)
    mask = _make_sc_select(b, s, capacity)(logits)
    return (mask[..., None], mask, logits)

# --- scband reference (transcript-rebuilt; emitter-appended) ---
"""Pipeline reference for scband-token-router-18021682774282 (READ-ONLY COPY).

The authoritative reference and input builder live on the scoring server;
editing this copy changes nothing except your own understanding.
"""

import jax, jax.numpy as jnp
import numpy as np

CAPACITY_FACTOR = 0.5


def setup_inputs(seed: int = 0) -> dict:
    key = jax.random.key(seed)
    k1, k2 = jax.random.split(key)
    x = jax.random.normal(k1, (4, 4096, 2048), dtype=jnp.float32)
    # nn.Linear(hidden_size, 1, bias=False) weight, stored as a vector [hidden_size]
    w = jax.random.normal(k2, (2048,), dtype=jnp.float32) * 0.02
    return {"x": x, "w": w}


def reference(x, w):
    batch_size, seq_len, hidden = x.shape
    # router_logits = Linear(x).squeeze(-1)  -> [B, S]
    router_logits = jnp.einsum('bsh,h->bs', x, w)
    capacity = int(seq_len * CAPACITY_FACTOR)
    # training=True branch
    routing_probs = jax.nn.sigmoid(router_logits)
    _, top_indices = jax.lax.top_k(router_logits, capacity)  # [B, capacity]
    routing_mask = jnp.zeros_like(router_logits)
    batch_idx = jnp.arange(batch_size)[:, None]
    routing_mask = routing_mask.at[batch_idx, top_indices].set(1.0)
    # straight-through: forward value = mask, gradient flows through sigmoid probs
    routing_weights = routing_mask + routing_probs - jax.lax.stop_gradient(routing_probs)
    routing_weights = routing_weights[..., None]  # [B, S, 1]
    return (routing_weights, routing_mask, router_logits)

if __name__ == "__main__":
    import jax
    _d = setup_inputs()
    print(jax.jit(kernel)(*tuple(_d.values())))

</pallas_src>

<mosaic_0001>
#map = affine_map<(d0, d1) -> (0, 0)>
module attributes {stable_mosaic.version = 14 : i64} {
  func.func @sc_select(%arg0: i32, %arg1: i32, %arg2: memref<4x4096xf32, #tpu.memory_space<hbm>>, %arg3: memref<4x4096xf32, #tpu.memory_space<hbm>>, %arg4: memref<4096xf32, #tpu.memory_space<vmem>>, %arg5: memref<4096xi32, #tpu.memory_space<vmem>>, %arg6: memref<256xi32, #tpu.memory_space<vmem>>, %arg7: memref<4112xi32, #tpu.memory_space<vmem>>, %arg8: memref<4112xi32, #tpu.memory_space<vmem>>) attributes {dimension_semantics = [#tpu.dimension_semantics<core_parallel>, #tpu.dimension_semantics<subcore_parallel>], iteration_bounds = array<i64: 2, 16>, scalar_prefetch = 0 : i64, scratch_operands = 5 : i64, tpu.core_type = #tpu.core_type<sc_vector_subcore>, window_params = [{transform_indices = #map}, {transform_indices = #map}]} {
    %mul3A = arith.constant 2 : i32
    %mul3A_0 = arith.muli %arg1, %mul3A : i32
    %add3A = arith.addi %mul3A_0, %arg0 : i32
    %lt3A = arith.constant 4 : i32
    %lt3A_1 = arith.cmpi slt, %add3A, %lt3A : i32
    %convert_element_type3A = arith.extui %lt3A_1 : i1 to i32
    %cond3A = arith.constant 0 : i32
    %cond3A_2 = arith.cmpi ne, %convert_element_type3A, %cond3A : i32
    scf.if %cond3A_2 {
      "tpu.region"() ({
        %run_scoped3A = tpu.sem_alloc : memref<!tpu.dma_semaphore, #tpu.memory_space<semaphore_mem>>
        %dma_start3A = arith.constant 0 : i32
        %dma_start3A_1144 = tpu.memref_slice %arg2[%add3A, %dma_start3A] : memref<4x4096xf32, #tpu.memory_space<hbm>> -> memref<1x4096xf32, #tpu.memory_space<hbm>>
        %dma_start3A_1145 = tpu.memref_squeeze %dma_start3A_1144 : memref<1x4096xf32, #tpu.memory_space<hbm>> -> memref<4096xf32, #tpu.memory_space<hbm>>
        %dma_start3A_1146 = arith.constant 0 : i32
        %dma_start3A_1147 = tpu.memref_slice %arg2[%add3A, %dma_start3A_1146] : memref<4x4096xf32, #tpu.memory_space<hbm>> -> memref<1x4096xf32, #tpu.memory_space<hbm>>
        %dma_start3A_1148 = tpu.memref_squeeze %dma_start3A_1147 : memref<1x4096xf32, #tpu.memory_space<hbm>> -> memref<4096xf32, #tpu.memory_space<hbm>>
        tpu.enqueue_dma source(%dma_start3A_1148 : memref<4096xf32, #tpu.memory_space<hbm>>) target(%arg4 : memref<4096xf32, #tpu.memory_space<vmem>>) target_semaphore(%run_scoped3A : memref<!tpu.dma_semaphore, #tpu.memory_space<semaphore_mem>>)
        %dma_wait3A = arith.constant 0 : i32
        %dma_wait3A_1149 = tpu.memref_slice %arg2[%add3A, %dma_wait3A] : memref<4x4096xf32, #tpu.memory_space<hbm>> -> memref<1x4096xf32, #tpu.memory_space<hbm>>
        %dma_wait3A_1150 = tpu.memref_squeeze %dma_wait3A_1149 : memref<1x4096xf32, #tpu.memory_space<hbm>> -> memref<4096xf32, #tpu.memory_space<hbm>>
        %dma_wait3A_1151 = arith.constant 0 : i32
        %dma_wait3A_1152 = tpu.memref_slice %arg2[%add3A, %dma_wait3A_1151] : memref<4x4096xf32, #tpu.memory_space<hbm>> -> memref<1x4096xf32, #tpu.memory_space<hbm>>
        %dma_wait3A_1153 = tpu.memref_squeeze %dma_wait3A_1152 : memref<1x4096xf32, #tpu.memory_space<hbm>> -> memref<4096xf32, #tpu.memory_space<hbm>>
        tpu.wait_dma2 semaphore(%run_scoped3A : memref<!tpu.dma_semaphore, #tpu.memory_space<semaphore_mem>>) src(%dma_wait3A_1153 : memref<4096xf32, #tpu.memory_space<hbm>>) dst(%arg4 : memref<4096xf32, #tpu.memory_space<vmem>>)
        tpu.yield
      }) : () -> ()
      %broadcast_in_dim3A = arith.constant 0 : i32
      %broadcast_in_dim3A_3 = vector.broadcast %broadcast_in_dim3A : i32 to vector<16xi32>
      %swap3A = arith.constant 0 : index
      %swap3A_4 = tpu.vector_load %arg6[%swap3A] {strides = array<i32>} : memref<256xi32, #tpu.memory_space<vmem>>, vector<16xi32>,
      tpu.vector_store %arg6[%swap3A], %broadcast_in_dim3A_3 {strides = array<i32>} : memref<256xi32, #tpu.memory_space<vmem>>, vector<16xi32>,
      %broadcast_in_dim3A_5 = arith.constant 0 : i32
      %broadcast_in_dim3A_6 = vector.broadcast %broadcast_in_dim3A_5 : i32 to vector<16xi32>
      %swap3A_7 = arith.constant 16 : index
      %swap3A_8 = tpu.vector_load %arg6[%swap3A_7] {strides = array<i32>} : memref<256xi32, #tpu.memory_space<vmem>>, vector<16xi32>,
      tpu.vector_store %arg6[%swap3A_7], %broadcast_in_dim3A_6 {strides = array<i32>} : memref<256xi32, #tpu.memory_space<vmem>>, vector<16xi32>,
      %broadcast_in_dim3A_9 = arith.constant 0 : i32
      %broadcast_in_dim3A_10 = vector.broadcast %broadcast_in_dim3A_9 : i32 to vector<16xi32>
      %swap3A_11 = arith.constant 32 : index
      %swap3A_12 = tpu.vector_load %arg6[%swap3A_11] {strides = array<i32>} : memref<256xi32, #tpu.memory_space<vmem>>, vector<16xi32>,
      tpu.vector_store %arg6[%swap3A_11], %broadcast_in_dim3A_10 {strides = array<i32>} : memref<256xi32, #tpu.memory_space<vmem>>, vector<16xi32>,
      %broadcast_in_dim3A_13 = arith.constant 0 : i32
      %broadcast_in_dim3A_14 = vector.broadcast %broadcast_in_dim3A_13 : i32 to vector<16xi32>
      %swap3A_15 = arith.constant 48 : index
      %swap3A_16 = tpu.vector_load %arg6[%swap3A_15] {strides = array<i32>} : memref<256xi32, #tpu.memory_space<vmem>>, vector<16xi32>,
      tpu.vector_store %arg6[%swap3A_15], %broadcast_in_dim3A_14 {strides = array<i32>} : memref<256xi32, #tpu.memory_space<vmem>>, vector<16xi32>,
      %broadcast_in_dim3A_17 = arith.constant 0 : i32
      %broadcast_in_dim3A_18 = vector.broadcast %broadcast_in_dim3A_17 : i32 to vector<16xi32>
      %swap3A_19 = arith.constant 64 : index
      %swap3A_20 = tpu.vector_load %arg6[%swap3A_19] {strides = array<i32>} : memref<256xi32, #tpu.memory_space<vmem>>, vector<16xi32>,
      tpu.vector_store %arg6[%swap3A_19], %broadcast_in_dim3A_18 {strides = array<i32>} : memref<256xi32, #tpu.memory_space<vmem>>, vector<16xi32>,
      %broadcast_in_dim3A_21 = arith.constant 0 : i32
      %broadcast_in_dim3A_22 = vector.broadcast %broadcast_in_dim3A_21 : i32 to vector<16xi32>
      %swap3A_23 = arith.constant 80 : index
      %swap3A_24 = tpu.vector_load %arg6[%swap3A_23] {strides = array<i32>} : memref<256xi32, #tpu.memory_space<vmem>>, vector<16xi32>,
      tpu.vector_store %arg6[%swap3A_23], %broadcast_in_dim3A_22 {strides = array<i32>} : memref<256xi32, #tpu.memory_space<vmem>>, vector<16xi32>,
      %broadcast_in_dim3A_25 = arith.constant 0 : i32
      %broadcast_in_dim3A_26 = vector.broadcast %broadcast_in_dim3A_25 : i32 to vector<16xi32>
      %swap3A_27 = arith.constant 96 : index
      %swap3A_28 = tpu.vector_load %arg6[%swap3A_27] {strides = array<i32>} : memref<256xi32, #tpu.memory_space<vmem>>, vector<16xi32>,
      tpu.vector_store %arg6[%swap3A_27], %broadcast_in_dim3A_26 {strides = array<i32>} : memref<256xi32, #tpu.memory_space<vmem>>, vector<16xi32>,
      %broadcast_in_dim3A_29 = arith.constant 0 : i32
      %broadcast_in_dim3A_30 = vector.broadcast %broadcast_in_dim3A_29 : i32 to vector<16xi32>
      %swap3A_31 = arith.constant 112 : index
      %swap3A_32 = tpu.vector_load %arg6[%swap3A_31] {strides = array<i32>} : memref<256xi32, #tpu.memory_space<vmem>>, vector<16xi32>,
      tpu.vector_store %arg6[%swap3A_31], %broadcast_in_dim3A_30 {strides = array<i32>} : memref<256xi32, #tpu.memory_space<vmem>>, vector<16xi32>,
      %broadcast_in_dim3A_33 = arith.constant 0 : i32
      %broadcast_in_dim3A_34 = vector.broadcast %broadcast_in_dim3A_33 : i32 to vector<16xi32>
      %swap3A_35 = arith.constant 128 : index
      %swap3A_36 = tpu.vector_load %arg6[%swap3A_35] {strides = array<i32>} : memref<256xi32, #tpu.memory_space<vmem>>, vector<16xi32>,
      tpu.vector_store %arg6[%swap3A_35], %broadcast_in_dim3A_34 {strides = array<i32>} : memref<256xi32, #tpu.memory_space<vmem>>, vector<16xi32>,
      %broadcast_in_dim3A_37 = arith.constant 0 : i32
      %broadcast_in_dim3A_38 = vector.broadcast %broadcast_in_dim3A_37 : i32 to vector<16xi32>
      %swap3A_39 = arith.constant 144 : index
      %swap3A_40 = tpu.vector_load %arg6[%swap3A_39] {strides = array<i32>} : memref<256xi32, #tpu.memory_space<vmem>>, vector<16xi32>,
      tpu.vector_store %arg6[%swap3A_39], %broadcast_in_dim3A_38 {strides = array<i32>} : memref<256xi32, #tpu.memory_space<vmem>>, vector<16xi32>,
      %broadcast_in_dim3A_41 = arith.constant 0 : i32
      %broadcast_in_dim3A_42 = vector.broadcast %broadcast_in_dim3A_41 : i32 to vector<16xi32>
      %swap3A_43 = arith.constant 160 : index
      %swap3A_44 = tpu.vector_load %arg6[%swap3A_43] {strides = array<i32>} : memref<256xi32, #tpu.memory_space<vmem>>, vector<16xi32>,
      tpu.vector_store %arg6[%swap3A_43], %broadcast_in_dim3A_42 {strides = array<i32>} : memref<256xi32, #tpu.memory_space<vmem>>, vector<16xi32>,
      %broadcast_in_dim3A_45 = arith.constant 0 : i32
      %broadcast_in_dim3A_46 = vector.broadcast %broadcast_in_dim3A_45 : i32 to vector<16xi32>
      %swap3A_47 = arith.constant 176 : index
      %swap3A_48 = tpu.vector_load %arg6[%swap3A_47] {strides = array<i32>} : memref<256xi32, #tpu.memory_space<vmem>>, vector<16xi32>,
      tpu.vector_store %arg6[%swap3A_47], %broadcast_in_dim3A_46 {strides = array<i32>} : memref<256xi32, #tpu.memory_space<vmem>>, vector<16xi32>,
      %broadcast_in_dim3A_49 = arith.constant 0 : i32
      %broadcast_in_dim3A_50 = vector.broadcast %broadcast_in_dim3A_49 : i32 to vector<16xi32>
      %swap3A_51 = arith.constant 192 : index
      %swap3A_52 = tpu.vector_load %arg6[%swap3A_51] {strides = array<i32>} : memref<256xi32, #tpu.memory_space<vmem>>, vector<16xi32>,
      tpu.vector_store %arg6[%swap3A_51], %broadcast_in_dim3A_50 {strides = array<i32>} : memref<256xi32, #tpu.memory_space<vmem>>, vector<16xi32>,
      %broadcast_in_dim3A_53 = arith.constant 0 : i32
      %broadcast_in_dim3A_54 = vector.broadcast %broadcast_in_dim3A_53 : i32 to vector<16xi32>
      %swap3A_55 = arith.constant 208 : index
      %swap3A_56 = tpu.vector_load %arg6[%swap3A_55] {strides = array<i32>} : memref<256xi32, #tpu.memory_space<vmem>>, vector<16xi32>,
      tpu.vector_store %arg6[%swap3A_55], %broadcast_in_dim3A_54 {strides = array<i32>} : memref<256xi32, #tpu.memory_space<vmem>>, vector<16xi32>,
      %broadcast_in_dim3A_57 = arith.constant 0 : i32
      %broadcast_in_dim3A_58 = vector.broadcast %broadcast_in_dim3A_57 : i32 to vector<16xi32>
      %swap3A_59 = arith.constant 224 : index
      %swap3A_60 = tpu.vector_load %arg6[%swap3A_59] {strides = array<i32>} : memref<256xi32, #tpu.memory_space<vmem>>, vector<16xi32>,
      tpu.vector_store %arg6[%swap3A_59], %broadcast_in_dim3A_58 {strides = array<i32>} : memref<256xi32, #tpu.memory_space<vmem>>, vector<16xi32>,
      %broadcast_in_dim3A_61 = arith.constant 0 : i32
      %broadcast_in_dim3A_62 = vector.broadcast %broadcast_in_dim3A_61 : i32 to vector<16xi32>
      %swap3A_63 = arith.constant 240 : index
      %swap3A_64 = tpu.vector_load %arg6[%swap3A_63] {strides = array<i32>} : memref<256xi32, #tpu.memory_space<vmem>>, vector<16xi32>,
      tpu.vector_store %arg6[%swap3A_63], %broadcast_in_dim3A_62 {strides = array<i32>} : memref<256xi32, #tpu.memory_space<vmem>>, vector<16xi32>,
      %broadcast_in_dim3A_65 = arith.constant 1 : i32
      %broadcast_in_dim3A_66 = vector.broadcast %broadcast_in_dim3A_65 : i32 to vector<16xi32>
      %parallel_loop3A = arith.constant 0 : i32
      %parallel_loop3A_67 = arith.constant 256 : i32
      %parallel_loop3A_68 = arith.constant 1 : i32
      scf.for %parallel_loop3A_1144 = %parallel_loop3A to %parallel_loop3A_67 step %parallel_loop3A_68  : i32 {
        %parallel_loop3A_1145 = arith.constant 16 : i32
        %parallel_loop3A_1146 = arith.muli %parallel_loop3A_1144, %parallel_loop3A_1145 : i32
        %parallel_loop3A_1147 = arith.index_cast %parallel_loop3A_1146 : i32 to index
        %parallel_loop3A_1148 = tpu.vector_load %arg4[%parallel_loop3A_1147] {strides = array<i32>} : memref<4096xf32, #tpu.memory_space<vmem>>, vector<16xf32>,
        %parallel_loop3A_1149 = tpu.bitcast %parallel_loop3A_1148 : vector<16xf32> -> vector<16xi32>
        %parallel_loop3A_1150 = arith.constant -2147483648 : i32
        %parallel_loop3A_1151 = vector.broadcast %parallel_loop3A_1150 : i32 to vector<16xi32>
        %parallel_loop3A_1152 = arith.cmpi uge, %parallel_loop3A_1149, %parallel_loop3A_1151 : vector<16xi32>
        %parallel_loop3A_1153 = arith.constant dense<-1> : vector<16xi32>
        %parallel_loop3A_1154 = arith.xori %parallel_loop3A_1149, %parallel_loop3A_1153 : vector<16xi32>
        %parallel_loop3A_1155 = arith.constant -2147483648 : i32
        %parallel_loop3A_1156 = vector.broadcast %parallel_loop3A_1155 : i32 to vector<16xi32>
        %parallel_loop3A_1157 = arith.ori %parallel_loop3A_1149, %parallel_loop3A_1156 : vector<16xi32>
        %parallel_loop3A_1158 = arith.select %parallel_loop3A_1152, %parallel_loop3A_1154, %parallel_loop3A_1157 : vector<16xi1>, vector<16xi32>
        %parallel_loop3A_1159 = arith.index_cast %parallel_loop3A_1146 : i32 to index
        %parallel_loop3A_1160 = tpu.vector_load %arg5[%parallel_loop3A_1159] {strides = array<i32>} : memref<4096xi32, #tpu.memory_space<vmem>>, vector<16xi32>,
        tpu.vector_store %arg5[%parallel_loop3A_1159], %parallel_loop3A_1158 {strides = array<i32>} : memref<4096xi32, #tpu.memory_space<vmem>>, vector<16xi32>,
        %parallel_loop3A_1161 = arith.constant 24 : i32
        %parallel_loop3A_1162 = vector.broadcast %parallel_loop3A_1161 : i32 to vector<16xi32>
        %parallel_loop3A_1163 = arith.shrui %parallel_loop3A_1158, %parallel_loop3A_1162 : vector<16xi32>
        tpu.vector_store_idx %arg6[%parallel_loop3A_1163], %broadcast_in_dim3A_66 {add = true} : memref<256xi32, #tpu.memory_space<vmem>>[vector<16xi32>], vector<16xi32>,
      } {sc.loop_unroll_factor = 8 : i64, sc.parallel_access}
      %broadcast_in_dim3A_69 = arith.constant 2048 : i32
      %broadcast_in_dim3A_70 = vector.broadcast %broadcast_in_dim3A_69 : i32 to vector<16xi32>
      %broadcast_in_dim3A_71 = arith.constant 0 : i32
      %broadcast_in_dim3A_72 = vector.broadcast %broadcast_in_dim3A_71 : i32 to vector<16xi32>
      %broadcast_in_dim3A_73 = arith.constant 0 : i32
      %broadcast_in_dim3A_74 = vector.broadcast %broadcast_in_dim3A_73 : i32 to vector<16xi32>
      %broadcast_in_dim3A_75 = arith.constant 0 : i32
      %broadcast_in_dim3A_76 = vector.broadcast %broadcast_in_dim3A_75 : i32 to vector<16xi32>
      %get3A = arith.constant 240 : index
      %get3A_77 = tpu.vector_load %arg6[%get3A] {strides = array<i32>} : memref<256xi32, #tpu.memory_space<vmem>>, vector<16xi32>,
      %rev3A = arith.constant 15 : i32
      %rev3A_78 = vector.broadcast %rev3A : i32 to vector<16xi32>
      %rev3A_79 = tpu.iota {dimensions = array<i32: 0>} : vector<16xi32>
      %rev3A_80 = arith.subi %rev3A_78, %rev3A_79 : vector<16xi32>
      %rev3A_81 = tpu.dynamic_gather %get3A_77[%rev3A_80] in [0] : vector<16xi32>, vector<16xi32> -> vector<16xi32>
      %cumsum3A = arith.constant true
      %cumsum3A_82 = vector.broadcast %cumsum3A : i1 to vector<16xi1>
      %cumsum3A_83 = tpu.scan <sum>, %rev3A_81 masked %cumsum3A_82 : vector<16xi32>, vector<16xi1> -> vector<16xi32>
      %broadcast_in_dim3A_84 = arith.constant 15 : i32
      %broadcast_in_dim3A_85 = vector.broadcast %broadcast_in_dim3A_84 : i32 to vector<16xi32>
      %lt3A_86 = arith.constant 0 : i32
      %lt3A_87 = vector.broadcast %lt3A_86 : i32 to vector<16xi32>
      %lt3A_88 = arith.cmpi slt, %broadcast_in_dim3A_85, %lt3A_87 : vector<16xi32>
      %add3A_89 = arith.constant 16 : i32
      %add3A_90 = vector.broadcast %add3A_89 : i32 to vector<16xi32>
      %add3A_91 = arith.addi %broadcast_in_dim3A_85, %add3A_90 : vector<16xi32>
      %select_n3A = arith.select %lt3A_88, %add3A_91, %broadcast_in_dim3A_85 : vector<16xi1>, vector<16xi32>
      %broadcast_in_dim3A_92 = vector.shape_cast %select_n3A : vector<16xi32> to vector<16x1xi32>
      %gather3A = vector.shape_cast %broadcast_in_dim3A_92 : vector<16x1xi32> to vector<16xi32>
      %gather3A_93 = tpu.dynamic_gather %cumsum3A_83[%gather3A] in [0] : vector<16xi32>, vector<16xi32> -> vector<16xi32>
      %add3A_94 = arith.addi %broadcast_in_dim3A_72, %cumsum3A_83 : vector<16xi32>
      %ge3A = arith.cmpi sge, %add3A_94, %broadcast_in_dim3A_70 : vector<16xi32>
      %all_reduce_ffs3A = tpu.all_reduce %ge3A {dim = 0 : i64, kind = #tpu.reduction_kind<find_first_set>} : vector<16xi1> -> vector<16xi32>
      %broadcast_in_dim3A_95 = arith.constant 15 : i32
      %broadcast_in_dim3A_96 = vector.broadcast %broadcast_in_dim3A_95 : i32 to vector<16xi32>
      %min3A = arith.minsi %all_reduce_ffs3A, %broadcast_in_dim3A_96 : vector<16xi32>
      %broadcast_in_dim3A_97 = arith.constant 15 : i32
      %broadcast_in_dim3A_98 = vector.broadcast %broadcast_in_dim3A_97 : i32 to vector<16xi32>
      %sub3A = arith.subi %broadcast_in_dim3A_98, %min3A : vector<16xi32>
      %broadcast_in_dim3A_99 = arith.constant 240 : i32
      %broadcast_in_dim3A_100 = vector.broadcast %broadcast_in_dim3A_99 : i32 to vector<16xi32>
      %add3A_101 = arith.addi %broadcast_in_dim3A_100, %sub3A : vector<16xi32>
      %lt3A_102 = arith.constant 0 : i32
      %lt3A_103 = vector.broadcast %lt3A_102 : i32 to vector<16xi32>
      %lt3A_104 = arith.cmpi slt, %min3A, %lt3A_103 : vector<16xi32>
      %add3A_105 = arith.constant 16 : i32
      %add3A_106 = vector.broadcast %add3A_105 : i32 to vector<16xi32>
      %add3A_107 = arith.addi %min3A, %add3A_106 : vector<16xi32>
      %select_n3A_108 = arith.select %lt3A_104, %add3A_107, %min3A : vector<16xi1>, vector<16xi32>
      %broadcast_in_dim3A_109 = vector.shape_cast %select_n3A_108 : vector<16xi32> to vector<16x1xi32>
      %gather3A_110 = vector.shape_cast %broadcast_in_dim3A_109 : vector<16x1xi32> to vector<16xi32>
      %gather3A_111 = tpu.dynamic_gather %cumsum3A_83[%gather3A_110] in [0] : vector<16xi32>, vector<16xi32> -> vector<16xi32>
      %add3A_112 = arith.addi %broadcast_in_dim3A_72, %gather3A_111 : vector<16xi32>
      %lt3A_113 = arith.constant 0 : i32
      %lt3A_114 = vector.broadcast %lt3A_113 : i32 to vector<16xi32>
      %lt3A_115 = arith.cmpi slt, %sub3A, %lt3A_114 : vector<16xi32>
      %add3A_116 = arith.constant 16 : i32
      %add3A_117 = vector.broadcast %add3A_116 : i32 to vector<16xi32>
      %add3A_118 = arith.addi %sub3A, %add3A_117 : vector<16xi32>
      %select_n3A_119 = arith.select %lt3A_115, %add3A_118, %sub3A : vector<16xi1>, vector<16xi32>
      %broadcast_in_dim3A_120 = vector.shape_cast %select_n3A_119 : vector<16xi32> to vector<16x1xi32>
      %gather3A_121 = vector.shape_cast %broadcast_in_dim3A_120 : vector<16x1xi32> to vector<16xi32>
      %gather3A_122 = tpu.dynamic_gather %get3A_77[%gather3A_121] in [0] : vector<16xi32>, vector<16xi32> -> vector<16xi32>
      %sub3A_123 = arith.subi %add3A_112, %gather3A_122 : vector<16xi32>
      %lt3A_124 = arith.cmpi slt, %broadcast_in_dim3A_72, %broadcast_in_dim3A_70 : vector<16xi32>
      %add3A_125 = arith.addi %broadcast_in_dim3A_72, %gather3A_93 : vector<16xi32>
      %ge3A_126 = arith.cmpi sge, %add3A_125, %broadcast_in_dim3A_70 : vector<16xi32>
      %and3A = arith.andi %lt3A_124, %ge3A_126 : vector<16xi1>
      %select_n3A_127 = arith.select %and3A, %add3A_101, %broadcast_in_dim3A_74 : vector<16xi1>, vector<16xi32>
      %select_n3A_128 = arith.select %and3A, %sub3A_123, %broadcast_in_dim3A_76 : vector<16xi1>, vector<16xi32>
      %add3A_129 = arith.addi %broadcast_in_dim3A_72, %gather3A_93 : vector<16xi32>
      %get3A_130 = arith.constant 224 : index
      %get3A_131 = tpu.vector_load %arg6[%get3A_130] {strides = array<i32>} : memref<256xi32, #tpu.memory_space<vmem>>, vector<16xi32>,
      %rev3A_132 = arith.constant 15 : i32
      %rev3A_133 = vector.broadcast %rev3A_132 : i32 to vector<16xi32>
      %rev3A_134 = tpu.iota {dimensions = array<i32: 0>} : vector<16xi32>
      %rev3A_135 = arith.subi %rev3A_133, %rev3A_134 : vector<16xi32>
      %rev3A_136 = tpu.dynamic_gather %get3A_131[%rev3A_135] in [0] : vector<16xi32>, vector<16xi32> -> vector<16xi32>
      %cumsum3A_137 = arith.constant true
      %cumsum3A_138 = vector.broadcast %cumsum3A_137 : i1 to vector<16xi1>
      %cumsum3A_139 = tpu.scan <sum>, %rev3A_136 masked %cumsum3A_138 : vector<16xi32>, vector<16xi1> -> vector<16xi32>
      %broadcast_in_dim3A_140 = arith.constant 15 : i32
      %broadcast_in_dim3A_141 = vector.broadcast %broadcast_in_dim3A_140 : i32 to vector<16xi32>
      %lt3A_142 = arith.constant 0 : i32
      %lt3A_143 = vector.broadcast %lt3A_142 : i32 to vector<16xi32>
      %lt3A_144 = arith.cmpi slt, %broadcast_in_dim3A_141, %lt3A_143 : vector<16xi32>
      %add3A_145 = arith.constant 16 : i32
      %add3A_146 = vector.broadcast %add3A_145 : i32 to vector<16xi32>
      %add3A_147 = arith.addi %broadcast_in_dim3A_141, %add3A_146 : vector<16xi32>
      %select_n3A_148 = arith.select %lt3A_144, %add3A_147, %broadcast_in_dim3A_141 : vector<16xi1>, vector<16xi32>
      %broadcast_in_dim3A_149 = vector.shape_cast %select_n3A_148 : vector<16xi32> to vector<16x1xi32>
      %gather3A_150 = vector.shape_cast %broadcast_in_dim3A_149 : vector<16x1xi32> to vector<16xi32>
      %gather3A_151 = tpu.dynamic_gather %cumsum3A_139[%gather3A_150] in [0] : vector<16xi32>, vector<16xi32> -> vector<16xi32>
      %add3A_152 = arith.addi %add3A_129, %cumsum3A_139 : vector<16xi32>
      %ge3A_153 = arith.cmpi sge, %add3A_152, %broadcast_in_dim3A_70 : vector<16xi32>
      %all_reduce_ffs3A_154 = tpu.all_reduce %ge3A_153 {dim = 0 : i64, kind = #tpu.reduction_kind<find_first_set>} : vector<16xi1> -> vector<16xi32>
      %broadcast_in_dim3A_155 = arith.constant 15 : i32
      %broadcast_in_dim3A_156 = vector.broadcast %broadcast_in_dim3A_155 : i32 to vector<16xi32>
      %min3A_157 = arith.minsi %all_reduce_ffs3A_154, %broadcast_in_dim3A_156 : vector<16xi32>
      %broadcast_in_dim3A_158 = arith.constant 15 : i32
      %broadcast_in_dim3A_159 = vector.broadcast %broadcast_in_dim3A_158 : i32 to vector<16xi32>
      %sub3A_160 = arith.subi %broadcast_in_dim3A_159, %min3A_157 : vector<16xi32>
      %broadcast_in_dim3A_161 = arith.constant 224 : i32
      %broadcast_in_dim3A_162 = vector.broadcast %broadcast_in_dim3A_161 : i32 to vector<16xi32>
      %add3A_163 = arith.addi %broadcast_in_dim3A_162, %sub3A_160 : vector<16xi32>
      %lt3A_164 = arith.constant 0 : i32
      %lt3A_165 = vector.broadcast %lt3A_164 : i32 to vector<16xi32>
      %lt3A_166 = arith.cmpi slt, %min3A_157, %lt3A_165 : vector<16xi32>
      %add3A_167 = arith.constant 16 : i32
      %add3A_168 = vector.broadcast %add3A_167 : i32 to vector<16xi32>
      %add3A_169 = arith.addi %min3A_157, %add3A_168 : vector<16xi32>
      %select_n3A_170 = arith.select %lt3A_166, %add3A_169, %min3A_157 : vector<16xi1>, vector<16xi32>
      %broadcast_in_dim3A_171 = vector.shape_cast %select_n3A_170 : vector<16xi32> to vector<16x1xi32>
      %gather3A_172 = vector.shape_cast %broadcast_in_dim3A_171 : vector<16x1xi32> to vector<16xi32>
      %gather3A_173 = tpu.dynamic_gather %cumsum3A_139[%gather3A_172] in [0] : vector<16xi32>, vector<16xi32> -> vector<16xi32>
      %add3A_174 = arith.addi %add3A_129, %gather3A_173 : vector<16xi32>
      %lt3A_175 = arith.constant 0 : i32
      %lt3A_176 = vector.broadcast %lt3A_175 : i32 to vector<16xi32>
      %lt3A_177 = arith.cmpi slt, %sub3A_160, %lt3A_176 : vector<16xi32>
      %add3A_178 = arith.constant 16 : i32
      %add3A_179 = vector.broadcast %add3A_178 : i32 to vector<16xi32>
      %add3A_180 = arith.addi %sub3A_160, %add3A_179 : vector<16xi32>
      %select_n3A_181 = arith.select %lt3A_177, %add3A_180, %sub3A_160 : vector<16xi1>, vector<16xi32>
      %broadcast_in_dim3A_182 = vector.shape_cast %select_n3A_181 : vector<16xi32> to vector<16x1xi32>
      %gather3A_183 = vector.shape_cast %broadcast_in_dim3A_182 : vector<16x1xi32> to vector<16xi32>
      %gather3A_184 = tpu.dynamic_gather %get3A_131[%gather3A_183] in [0] : vector<16xi32>, vector<16xi32> -> vector<16xi32>
      %sub3A_185 = arith.subi %add3A_174, %gather3A_184 : vector<16xi32>
      %lt3A_186 = arith.cmpi slt, %add3A_129, %broadcast_in_dim3A_70 : vector<16xi32>
      %add3A_187 = arith.addi %add3A_129, %gather3A_151 : vector<16xi32>
      %ge3A_188 = arith.cmpi sge, %add3A_187, %broadcast_in_dim3A_70 : vector<16xi32>
      %and3A_189 = arith.andi %lt3A_186, %ge3A_188 : vector<16xi1>
      %select_n3A_190 = arith.select %and3A_189, %add3A_163, %select_n3A_127 : vector<16xi1>, vector<16xi32>
      %select_n3A_191 = arith.select %and3A_189, %sub3A_185, %select_n3A_128 : vector<16xi1>, vector<16xi32>
      %add3A_192 = arith.addi %add3A_129, %gather3A_151 : vector<16xi32>
      %get3A_193 = arith.constant 208 : index
      %get3A_194 = tpu.vector_load %arg6[%get3A_193] {strides = array<i32>} : memref<256xi32, #tpu.memory_space<vmem>>, vector<16xi32>,
      %rev3A_195 = arith.constant 15 : i32
      %rev3A_196 = vector.broadcast %rev3A_195 : i32 to vector<16xi32>
      %rev3A_197 = tpu.iota {dimensions = array<i32: 0>} : vector<16xi32>
      %rev3A_198 = arith.subi %rev3A_196, %rev3A_197 : vector<16xi32>
      %rev3A_199 = tpu.dynamic_gather %get3A_194[%rev3A_198] in [0] : vector<16xi32>, vector<16xi32> -> vector<16xi32>
      %cumsum3A_200 = arith.constant true
      %cumsum3A_201 = vector.broadcast %cumsum3A_200 : i1 to vector<16xi1>
      %cumsum3A_202 = tpu.scan <sum>, %rev3A_199 masked %cumsum3A_201 : vector<16xi32>, vector<16xi1> -> vector<16xi32>
      %broadcast_in_dim3A_203 = arith.constant 15 : i32
      %broadcast_in_dim3A_204 = vector.broadcast %broadcast_in_dim3A_203 : i32 to vector<16xi32>
      %lt3A_205 = arith.constant 0 : i32
      %lt3A_206 = vector.broadcast %lt3A_205 : i32 to vector<16xi32>
      %lt3A_207 = arith.cmpi slt, %broadcast_in_dim3A_204, %lt3A_206 : vector<16xi32>
      %add3A_208 = arith.constant 16 : i32
      %add3A_209 = vector.broadcast %add3A_208 : i32 to vector<16xi32>
      %add3A_210 = arith.addi %broadcast_in_dim3A_204, %add3A_209 : vector<16xi32>
      %select_n3A_211 = arith.select %lt3A_207, %add3A_210, %broadcast_in_dim3A_204 : vector<16xi1>, vector<16xi32>
      %broadcast_in_dim3A_212 = vector.shape_cast %select_n3A_211 : vector<16xi32> to vector<16x1xi32>
      %gather3A_213 = vector.shape_cast %broadcast_in_dim3A_212 : vector<16x1xi32> to vector<16xi32>
      %gather3A_214 = tpu.dynamic_gather %cumsum3A_202[%gather3A_213] in [0] : vector<16xi32>, vector<16xi32> -> vector<16xi32>
      %add3A_215 = arith.addi %add3A_192, %cumsum3A_202 : vector<16xi32>
      %ge3A_216 = arith.cmpi sge, %add3A_215, %broadcast_in_dim3A_70 : vector<16xi32>
      %all_reduce_ffs3A_217 = tpu.all_reduce %ge3A_216 {dim = 0 : i64, kind = #tpu.reduction_kind<find_first_set>} : vector<16xi1> -> vector<16xi32>
      %broadcast_in_dim3A_218 = arith.constant 15 : i32
      %broadcast_in_dim3A_219 = vector.broadcast %broadcast_in_dim3A_218 : i32 to vector<16xi32>
      %min3A_220 = arith.minsi %all_reduce_ffs3A_217, %broadcast_in_dim3A_219 : vector<16xi32>
      %broadcast_in_dim3A_221 = arith.constant 15 : i32
      %broadcast_in_dim3A_222 = vector.broadcast %broadcast_in_dim3A_221 : i32 to vector<16xi32>
      %sub3A_223 = arith.subi %broadcast_in_dim3A_222, %min3A_220 : vector<16xi32>
      %broadcast_in_dim3A_224 = arith.constant 208 : i32
      %broadcast_in_dim3A_225 = vector.broadcast %broadcast_in_dim3A_224 : i32 to vector<16xi32>
      %add3A_226 = arith.addi %broadcast_in_dim3A_225, %sub3A_223 : vector<16xi32>
      %lt3A_227 = arith.constant 0 : i32
      %lt3A_228 = vector.broadcast %lt3A_227 : i32 to vector<16xi32>
      %lt3A_229 = arith.cmpi slt, %min3A_220, %lt3A_228 : vector<16xi32>
      %add3A_230 = arith.constant 16 : i32
      %add3A_231 = vector.broadcast %add3A_230 : i32 to vector<16xi32>
      %add3A_232 = arith.addi %min3A_220, %add3A_231 : vector<16xi32>
      %select_n3A_233 = arith.select %lt3A_229, %add3A_232, %min3A_220 : vector<16xi1>, vector<16xi32>
      %broadcast_in_dim3A_234 = vector.shape_cast %select_n3A_233 : vector<16xi32> to vector<16x1xi32>
      %gather3A_235 = vector.shape_cast %broadcast_in_dim3A_234 : vector<16x1xi32> to vector<16xi32>
      %gather3A_236 = tpu.dynamic_gather %cumsum3A_202[%gather3A_235] in [0] : vector<16xi32>, vector<16xi32> -> vector<16xi32>
      %add3A_237 = arith.addi %add3A_192, %gather3A_236 : vector<16xi32>
      %lt3A_238 = arith.constant 0 : i32
      %lt3A_239 = vector.broadcast %lt3A_238 : i32 to vector<16xi32>
      %lt3A_240 = arith.cmpi slt, %sub3A_223, %lt3A_239 : vector<16xi32>
      %add3A_241 = arith.constant 16 : i32
      %add3A_242 = vector.broadcast %add3A_241 : i32 to vector<16xi32>
      %add3A_243 = arith.addi %sub3A_223, %add3A_242 : vector<16xi32>
      %select_n3A_244 = arith.select %lt3A_240, %add3A_243, %sub3A_223 : vector<16xi1>, vector<16xi32>
      %broadcast_in_dim3A_245 = vector.shape_cast %select_n3A_244 : vector<16xi32> to vector<16x1xi32>
      %gather3A_246 = vector.shape_cast %broadcast_in_dim3A_245 : vector<16x1xi32> to vector<16xi32>
      %gather3A_247 = tpu.dynamic_gather %get3A_194[%gather3A_246] in [0] : vector<16xi32>, vector<16xi32> -> vector<16xi32>
      %sub3A_248 = arith.subi %add3A_237, %gather3A_247 : vector<16xi32>
      %lt3A_249 = arith.cmpi slt, %add3A_192, %broadcast_in_dim3A_70 : vector<16xi32>
      %add3A_250 = arith.addi %add3A_192, %gather3A_214 : vector<16xi32>
      %ge3A_251 = arith.cmpi sge, %add3A_250, %broadcast_in_dim3A_70 : vector<16xi32>
      %and3A_252 = arith.andi %lt3A_249, %ge3A_251 : vector<16xi1>
      %select_n3A_253 = arith.select %and3A_252, %add3A_226, %select_n3A_190 : vector<16xi1>, vector<16xi32>
      %select_n3A_254 = arith.select %and3A_252, %sub3A_248, %select_n3A_191 : vector<16xi1>, vector<16xi32>
      %add3A_255 = arith.addi %add3A_192, %gather3A_214 : vector<16xi32>
      %get3A_256 = arith.constant 192 : index
      %get3A_257 = tpu.vector_load %arg6[%get3A_256] {strides = array<i32>} : memref<256xi32, #tpu.memory_space<vmem>>, vector<16xi32>,
      %rev3A_258 = arith.constant 15 : i32
      %rev3A_259 = vector.broadcast %rev3A_258 : i32 to vector<16xi32>
      %rev3A_260 = tpu.iota {dimensions = array<i32: 0>} : vector<16xi32>
      %rev3A_261 = arith.subi %rev3A_259, %rev3A_260 : vector<16xi32>
      %rev3A_262 = tpu.dynamic_gather %get3A_257[%rev3A_261] in [0] : vector<16xi32>, vector<16xi32> -> vector<16xi32>
      %cumsum3A_263 = arith.constant true
      %cumsum3A_264 = vector.broadcast %cumsum3A_263 : i1 to vector<16xi1>
      %cumsum3A_265 = tpu.scan <sum>, %rev3A_262 masked %cumsum3A_264 : vector<16xi32>, vector<16xi1> -> vector<16xi32>
      %broadcast_in_dim3A_266 = arith.constant 15 : i32
      %broadcast_in_dim3A_267 = vector.broadcast %broadcast_in_dim3A_266 : i32 to vector<16xi32>
      %lt3A_268 = arith.constant 0 : i32
      %lt3A_269 = vector.broadcast %lt3A_268 : i32 to vector<16xi32>
      %lt3A_270 = arith.cmpi slt, %broadcast_in_dim3A_267, %lt3A_269 : vector<16xi32>
      %add3A_271 = arith.constant 16 : i32
      %add3A_272 = vector.broadcast %add3A_271 : i32 to vector<16xi32>
      %add3A_273 = arith.addi %broadcast_in_dim3A_267, %add3A_272 : vector<16xi32>
      %select_n3A_274 = arith.select %lt3A_270, %add3A_273, %broadcast_in_dim3A_267 : vector<16xi1>, vector<16xi32>
      %broadcast_in_dim3A_275 = vector.shape_cast %select_n3A_274 : vector<16xi32> to vector<16x1xi32>
      %gather3A_276 = vector.shape_cast %broadcast_in_dim3A_275 : vector<16x1xi32> to vector<16xi32>
      %gather3A_277 = tpu.dynamic_gather %cumsum3A_265[%gather3A_276] in [0] : vector<16xi32>, vector<16xi32> -> vector<16xi32>
      %add3A_278 = arith.addi %add3A_255, %cumsum3A_265 : vector<16xi32>
      %ge3A_279 = arith.cmpi sge, %add3A_278, %broadcast_in_dim3A_70 : vector<16xi32>
      %all_reduce_ffs3A_280 = tpu.all_reduce %ge3A_279 {dim = 0 : i64, kind = #tpu.reduction_kind<find_first_set>} : vector<16xi1> -> vector<16xi32>
      %broadcast_in_dim3A_281 = arith.constant 15 : i32
      %broadcast_in_dim3A_282 = vector.broadcast %broadcast_in_dim3A_281 : i32 to vector<16xi32>
      %min3A_283 = arith.minsi %all_reduce_ffs3A_280, %broadcast_in_dim3A_282 : vector<16xi32>
      %broadcast_in_dim3A_284 = arith.constant 15 : i32
      %broadcast_in_dim3A_285 = vector.broadcast %broadcast_in_dim3A_284 : i32 to vector<16xi32>
      %sub3A_286 = arith.subi %broadcast_in_dim3A_285, %min3A_283 : vector<16xi32>
      %broadcast_in_dim3A_287 = arith.constant 192 : i32
      %broadcast_in_dim3A_288 = vector.broadcast %broadcast_in_dim3A_287 : i32 to vector<16xi32>
      %add3A_289 = arith.addi %broadcast_in_dim3A_288, %sub3A_286 : vector<16xi32>
      %lt3A_290 = arith.constant 0 : i32
      %lt3A_291 = vector.broadcast %lt3A_290 : i32 to vector<16xi32>
      %lt3A_292 = arith.cmpi slt, %min3A_283, %lt3A_291 : vector<16xi32>
      %add3A_293 = arith.constant 16 : i32
      %add3A_294 = vector.broadcast %add3A_293 : i32 to vector<16xi32>
      %add3A_295 = arith.addi %min3A_283, %add3A_294 : vector<16xi32>
      %select_n3A_296 = arith.select %lt3A_292, %add3A_295, %min3A_283 : vector<16xi1>, vector<16xi32>
      %broadcast_in_dim3A_297 = vector.shape_cast %select_n3A_296 : vector<16xi32> to vector<16x1xi32>
      %gather3A_298 = vector.shape_cast %broadcast_in_dim3A_297 : vector<16x1xi32> to vector<16xi32>
      %gather3A_299 = tpu.dynamic_gather %cumsum3A_265[%gather3A_298] in [0] : vector<16xi32>, vector<16xi32> -> vector<16xi32>
      %add3A_300 = arith.addi %add3A_255, %gather3A_299 : vector<16xi32>
      %lt3A_301 = arith.constant 0 : i32
      %lt3A_302 = vector.broadcast %lt3A_301 : i32 to vector<16xi32>
      %lt3A_303 = arith.cmpi slt, %sub3A_286, %lt3A_302 : vector<16xi32>
      %add3A_304 = arith.constant 16 : i32
      %add3A_305 = vector.broadcast %add3A_304 : i32 to vector<16xi32>
      %add3A_306 = arith.addi %sub3A_286, %add3A_305 : vector<16xi32>
      %select_n3A_307 = arith.select %lt3A_303, %add3A_306, %sub3A_286 : vector<16xi1>, vector<16xi32>
      %broadcast_in_dim3A_308 = vector.shape_cast %select_n3A_307 : vector<16xi32> to vector<16x1xi32>
      %gather3A_309 = vector.shape_cast %broadcast_in_dim3A_308 : vector<16x1xi32> to vector<16xi32>
      %gather3A_310 = tpu.dynamic_gather %get3A_257[%gather3A_309] in [0] : vector<16xi32>, vector<16xi32> -> vector<16xi32>
      %sub3A_311 = arith.subi %add3A_300, %gather3A_310 : vector<16xi32>
      %lt3A_312 = arith.cmpi slt, %add3A_255, %broadcast_in_dim3A_70 : vector<16xi32>
      %add3A_313 = arith.addi %add3A_255, %gather3A_277 : vector<16xi32>
      %ge3A_314 = arith.cmpi sge, %add3A_313, %broadcast_in_dim3A_70 : vector<16xi32>
      %and3A_315 = arith.andi %lt3A_312, %ge3A_314 : vector<16xi1>
      %select_n3A_316 = arith.select %and3A_315, %add3A_289, %select_n3A_253 : vector<16xi1>, vector<16xi32>
      %select_n3A_317 = arith.select %and3A_315, %sub3A_311, %select_n3A_254 : vector<16xi1>, vector<16xi32>
      %add3A_318 = arith.addi %add3A_255, %gather3A_277 : vector<16xi32>
      %get3A_319 = arith.constant 176 : index
      %get3A_320 = tpu.vector_load %arg6[%get3A_319] {strides = array<i32>} : memref<256xi32, #tpu.memory_space<vmem>>, vector<16xi32>,
      %rev3A_321 = arith.constant 15 : i32
      %rev3A_322 = vector.broadcast %rev3A_321 : i32 to vector<16xi32>
      %rev3A_323 = tpu.iota {dimensions = array<i32: 0>} : vector<16xi32>
      %rev3A_324 = arith.subi %rev3A_322, %rev3A_323 : vector<16xi32>
      %rev3A_325 = tpu.dynamic_gather %get3A_320[%rev3A_324] in [0] : vector<16xi32>, vector<16xi32> -> vector<16xi32>
      %cumsum3A_326 = arith.constant true
      %cumsum3A_327 = vector.broadcast %cumsum3A_326 : i1 to vector<16xi1>
      %cumsum3A_328 = tpu.scan <sum>, %rev3A_325 masked %cumsum3A_327 : vector<16xi32>, vector<16xi1> -> vector<16xi32>
      %broadcast_in_dim3A_329 = arith.constant 15 : i32
      %broadcast_in_dim3A_330 = vector.broadcast %broadcast_in_dim3A_329 : i32 to vector<16xi32>
      %lt3A_331 = arith.constant 0 : i32
      %lt3A_332 = vector.broadcast %lt3A_331 : i32 to vector<16xi32>
      %lt3A_333 = arith.cmpi slt, %broadcast_in_dim3A_330, %lt3A_332 : vector<16xi32>
      %add3A_334 = arith.constant 16 : i32
      %add3A_335 = vector.broadcast %add3A_334 : i32 to vector<16xi32>
      %add3A_336 = arith.addi %broadcast_in_dim3A_330, %add3A_335 : vector<16xi32>
      %select_n3A_337 = arith.select %lt3A_333, %add3A_336, %broadcast_in_dim3A_330 : vector<16xi1>, vector<16xi32>
      %broadcast_in_dim3A_338 = vector.shape_cast %select_n3A_337 : vector<16xi32> to vector<16x1xi32>
      %gather3A_339 = vector.shape_cast %broadcast_in_dim3A_338 : vector<16x1xi32> to vector<16xi32>
      %gather3A_340 = tpu.dynamic_gather %cumsum3A_328[%gather3A_339] in [0] : vector<16xi32>, vector<16xi32> -> vector<16xi32>
      %add3A_341 = arith.addi %add3A_318, %cumsum3A_328 : vector<16xi32>
      %ge3A_342 = arith.cmpi sge, %add3A_341, %broadcast_in_dim3A_70 : vector<16xi32>
      %all_reduce_ffs3A_343 = tpu.all_reduce %ge3A_342 {dim = 0 : i64, kind = #tpu.reduction_kind<find_first_set>} : vector<16xi1> -> vector<16xi32>
      %broadcast_in_dim3A_344 = arith.constant 15 : i32
      %broadcast_in_dim3A_345 = vector.broadcast %broadcast_in_dim3A_344 : i32 to vector<16xi32>
      %min3A_346 = arith.minsi %all_reduce_ffs3A_343, %broadcast_in_dim3A_345 : vector<16xi32>
      %broadcast_in_dim3A_347 = arith.constant 15 : i32
      %broadcast_in_dim3A_348 = vector.broadcast %broadcast_in_dim3A_347 : i32 to vector<16xi32>
      %sub3A_349 = arith.subi %broadcast_in_dim3A_348, %min3A_346 : vector<16xi32>
      %broadcast_in_dim3A_350 = arith.constant 176 : i32
      %broadcast_in_dim3A_351 = vector.broadcast %broadcast_in_dim3A_350 : i32 to vector<16xi32>
      %add3A_352 = arith.addi %broadcast_in_dim3A_351, %sub3A_349 : vector<16xi32>
      %lt3A_353 = arith.constant 0 : i32
      %lt3A_354 = vector.broadcast %lt3A_353 : i32 to vector<16xi32>
      %lt3A_355 = arith.cmpi slt, %min3A_346, %lt3A_354 : vector<16xi32>
      %add3A_356 = arith.constant 16 : i32
      %add3A_357 = vector.broadcast %add3A_356 : i32 to vector<16xi32>
      %add3A_358 = arith.addi %min3A_346, %add3A_357 : vector<16xi32>
      %select_n3A_359 = arith.select %lt3A_355, %add3A_358, %min3A_346 : vector<16xi1>, vector<16xi32>
      %broadcast_in_dim3A_360 = vector.shape_cast %select_n3A_359 : vector<16xi32> to vector<16x1xi32>
      %gather3A_361 = vector.shape_cast %broadcast_in_dim3A_360 : vector<16x1xi32> to vector<16xi32>
      %gather3A_362 = tpu.dynamic_gather %cumsum3A_328[%gather3A_361] in [0] : vector<16xi32>, vector<16xi32> -> vector<16xi32>
      %add3A_363 = arith.addi %add3A_318, %gather3A_362 : vector<16xi32>
      %lt3A_364 = arith.constant 0 : i32
      %lt3A_365 = vector.broadcast %lt3A_364 : i32 to vector<16xi32>
      %lt3A_366 = arith.cmpi slt, %sub3A_349, %lt3A_365 : vector<16xi32>
      %add3A_367 = arith.constant 16 : i32
      %add3A_368 = vector.broadcast %add3A_367 : i32 to vector<16xi32>
      %add3A_369 = arith.addi %sub3A_349, %add3A_368 : vector<16xi32>
      %select_n3A_370 = arith.select %lt3A_366, %add3A_369, %sub3A_349 : vector<16xi1>, vector<16xi32>
      %broadcast_in_dim3A_371 = vector.shape_cast %select_n3A_370 : vector<16xi32> to vector<16x1xi32>
      %gather3A_372 = vector.shape_cast %broadcast_in_dim3A_371 : vector<16x1xi32> to vector<16xi32>
      %gather3A_373 = tpu.dynamic_gather %get3A_320[%gather3A_372] in [0] : vector<16xi32>, vector<16xi32> -> vector<16xi32>
      %sub3A_374 = arith.subi %add3A_363, %gather3A_373 : vector<16xi32>
      %lt3A_375 = arith.cmpi slt, %add3A_318, %broadcast_in_dim3A_70 : vector<16xi32>
      %add3A_376 = arith.addi %add3A_318, %gather3A_340 : vector<16xi32>
      %ge3A_377 = arith.cmpi sge, %add3A_376, %broadcast_in_dim3A_70 : vector<16xi32>
      %and3A_378 = arith.andi %lt3A_375, %ge3A_377 : vector<16xi1>
      %select_n3A_379 = arith.select %and3A_378, %add3A_352, %select_n3A_316 : vector<16xi1>, vector<16xi32>
      %select_n3A_380 = arith.select %and3A_378, %sub3A_374, %select_n3A_317 : vector<16xi1>, vector<16xi32>
      %add3A_381 = arith.addi %add3A_318, %gather3A_340 : vector<16xi32>
      %get3A_382 = arith.constant 160 : index
      %get3A_383 = tpu.vector_load %arg6[%get3A_382] {strides = array<i32>} : memref<256xi32, #tpu.memory_space<vmem>>, vector<16xi32>,
      %rev3A_384 = arith.constant 15 : i32
      %rev3A_385 = vector.broadcast %rev3A_384 : i32 to vector<16xi32>
      %rev3A_386 = tpu.iota {dimensions = array<i32: 0>} : vector<16xi32>
      %rev3A_387 = arith.subi %rev3A_385, %rev3A_386 : vector<16xi32>
      %rev3A_388 = tpu.dynamic_gather %get3A_383[%rev3A_387] in [0] : vector<16xi32>, vector<16xi32> -> vector<16xi32>
      %cumsum3A_389 = arith.constant true
      %cumsum3A_390 = vector.broadcast %cumsum3A_389 : i1 to vector<16xi1>
      %cumsum3A_391 = tpu.scan <sum>, %rev3A_388 masked %cumsum3A_390 : vector<16xi32>, vector<16xi1> -> vector<16xi32>
      %broadcast_in_dim3A_392 = arith.constant 15 : i32
      %broadcast_in_dim3A_393 = vector.broadcast %broadcast_in_dim3A_392 : i32 to vector<16xi32>
      %lt3A_394 = arith.constant 0 : i32
      %lt3A_395 = vector.broadcast %lt3A_394 : i32 to vector<16xi32>
      %lt3A_396 = arith.cmpi slt, %broadcast_in_dim3A_393, %lt3A_395 : vector<16xi32>
      %add3A_397 = arith.constant 16 : i32
      %add3A_398 = vector.broadcast %add3A_397 : i32 to vector<16xi32>
      %add3A_399 = arith.addi %broadcast_in_dim3A_393, %add3A_398 : vector<16xi32>
      %select_n3A_400 = arith.select %lt3A_396, %add3A_399, %broadcast_in_dim3A_393 : vector<16xi1>, vector<16xi32>
      %broadcast_in_dim3A_401 = vector.shape_cast %select_n3A_400 : vector<16xi32> to vector<16x1xi32>
      %gather3A_402 = vector.shape_cast %broadcast_in_dim3A_401 : vector<16x1xi32> to vector<16xi32>
      %gather3A_403 = tpu.dynamic_gather %cumsum3A_391[%gather3A_402] in [0] : vector<16xi32>, vector<16xi32> -> vector<16xi32>
      %add3A_404 = arith.addi %add3A_381, %cumsum3A_391 : vector<16xi32>
      %ge3A_405 = arith.cmpi sge, %add3A_404, %broadcast_in_dim3A_70 : vector<16xi32>
      %all_reduce_ffs3A_406 = tpu.all_reduce %ge3A_405 {dim = 0 : i64, kind = #tpu.reduction_kind<find_first_set>} : vector<16xi1> -> vector<16xi32>
      %broadcast_in_dim3A_407 = arith.constant 15 : i32
      %broadcast_in_dim3A_408 = vector.broadcast %broadcast_in_dim3A_407 : i32 to vector<16xi32>
      %min3A_409 = arith.minsi %all_reduce_ffs3A_406, %broadcast_in_dim3A_408 : vector<16xi32>
      %broadcast_in_dim3A_410 = arith.constant 15 : i32
      %broadcast_in_dim3A_411 = vector.broadcast %broadcast_in_dim3A_410 : i32 to vector<16xi32>
      %sub3A_412 = arith.subi %broadcast_in_dim3A_411, %min3A_409 : vector<16xi32>
      %broadcast_in_dim3A_413 = arith.constant 160 : i32
      %broadcast_in_dim3A_414 = vector.broadcast %broadcast_in_dim3A_413 : i32 to vector<16xi32>
      %add3A_415 = arith.addi %broadcast_in_dim3A_414, %sub3A_412 : vector<16xi32>
      %lt3A_416 = arith.constant 0 : i32
      %lt3A_417 = vector.broadcast %lt3A_416 : i32 to vector<16xi32>
      %lt3A_418 = arith.cmpi slt, %min3A_409, %lt3A_417 : vector<16xi32>
      %add3A_419 = arith.constant 16 : i32
      %add3A_420 = vector.broadcast %add3A_419 : i32 to vector<16xi32>
      %add3A_421 = arith.addi %min3A_409, %add3A_420 : vector<16xi32>
      %select_n3A_422 = arith.select %lt3A_418, %add3A_421, %min3A_409 : vector<16xi1>, vector<16xi32>
      %broadcast_in_dim3A_423 = vector.shape_cast %select_n3A_422 : vector<16xi32> to vector<16x1xi32>
      %gather3A_424 = vector.shape_cast %broadcast_in_dim3A_423 : vector<16x1xi32> to vector<16xi32>
      %gather3A_425 = tpu.dynamic_gather %cumsum3A_391[%gather3A_424] in [0] : vector<16xi32>, vector<16xi32> -> vector<16xi32>
      %add3A_426 = arith.addi %add3A_381, %gather3A_425 : vector<16xi32>
      %lt3A_427 = arith.constant 0 : i32
      %lt3A_428 = vector.broadcast %lt3A_427 : i32 to vector<16xi32>
      %lt3A_429 = arith.cmpi slt, %sub3A_412, %lt3A_428 : vector<16xi32>
      %add3A_430 = arith.constant 16 : i32
      %add3A_431 = vector.broadcast %add3A_430 : i32 to vector<16xi32>
      %add3A_432 = arith.addi %sub3A_412, %add3A_431 : vector<16xi32>
      %select_n3A_433 = arith.select %lt3A_429, %add3A_432, %sub3A_412 : vector<16xi1>, vector<16xi32>
      %broadcast_in_dim3A_434 = vector.shape_cast %select_n3A_433 : vector<16xi32> to vector<16x1xi32>
      %gather3A_435 = vector.shape_cast %broadcast_in_dim3A_434 : vector<16x1xi32> to vector<16xi32>
      %gather3A_436 = tpu.dynamic_gather %get3A_383[%gather3A_435] in [0] : vector<16xi32>, vector<16xi32> -> vector<16xi32>
      %sub3A_437 = arith.subi %add3A_426, %gather3A_436 : vector<16xi32>
      %lt3A_438 = arith.cmpi slt, %add3A_381, %broadcast_in_dim3A_70 : vector<16xi32>
      %add3A_439 = arith.addi %add3A_381, %gather3A_403 : vector<16xi32>
      %ge3A_440 = arith.cmpi sge, %add3A_439, %broadcast_in_dim3A_70 : vector<16xi32>
      %and3A_441 = arith.andi %lt3A_438, %ge3A_440 : vector<16xi1>
      %select_n3A_442 = arith.select %and3A_441, %add3A_415, %select_n3A_379 : vector<16xi1>, vector<16xi32>
      %select_n3A_443 = arith.select %and3A_441, %sub3A_437, %select_n3A_380 : vector<16xi1>, vector<16xi32>
      %add3A_444 = arith.addi %add3A_381, %gather3A_403 : vector<16xi32>
      %get3A_445 = arith.constant 144 : index
      %get3A_446 = tpu.vector_load %arg6[%get3A_445] {strides = array<i32>} : memref<256xi32, #tpu.memory_space<vmem>>, vector<16xi32>,
      %rev3A_447 = arith.constant 15 : i32
      %rev3A_448 = vector.broadcast %rev3A_447 : i32 to vector<16xi32>
      %rev3A_449 = tpu.iota {dimensions = array<i32: 0>} : vector<16xi32>
      %rev3A_450 = arith.subi %rev3A_448, %rev3A_449 : vector<16xi32>
      %rev3A_451 = tpu.dynamic_gather %get3A_446[%rev3A_450] in [0] : vector<16xi32>, vector<16xi32> -> vector<16xi32>
      %cumsum3A_452 = arith.constant true
      %cumsum3A_453 = vector.broadcast %cumsum3A_452 : i1 to vector<16xi1>
      %cumsum3A_454 = tpu.scan <sum>, %rev3A_451 masked %cumsum3A_453 : vector<16xi32>, vector<16xi1> -> vector<16xi32>
      %broadcast_in_dim3A_455 = arith.constant 15 : i32
      %broadcast_in_dim3A_456 = vector.broadcast %broadcast_in_dim3A_455 : i32 to vector<16xi32>
      %lt3A_457 = arith.constant 0 : i32
      %lt3A_458 = vector.broadcast %lt3A_457 : i32 to vector<16xi32>
      %lt3A_459 = arith.cmpi slt, %broadcast_in_dim3A_456, %lt3A_458 : vector<16xi32>
      %add3A_460 = arith.constant 16 : i32
      %add3A_461 = vector.broadcast %add3A_460 : i32 to vector<16xi32>
      %add3A_462 = arith.addi %broadcast_in_dim3A_456, %add3A_461 : vector<16xi32>
      %select_n3A_463 = arith.select %lt3A_459, %add3A_462, %broadcast_in_dim3A_456 : vector<16xi1>, vector<16xi32>
      %broadcast_in_dim3A_464 = vector.shape_cast %select_n3A_463 : vector<16xi32> to vector<16x1xi32>
      %gather3A_465 = vector.shape_cast %broadcast_in_dim3A_464 : vector<16x1xi32> to vector<16xi32>
      %gather3A_466 = tpu.dynamic_gather %cumsum3A_454[%gather3A_465] in [0] : vector<16xi32>, vector<16xi32> -> vector<16xi32>
      %add3A_467 = arith.addi %add3A_444, %cumsum3A_454 : vector<16xi32>
      %ge3A_468 = arith.cmpi sge, %add3A_467, %broadcast_in_dim3A_70 : vector<16xi32>
      %all_reduce_ffs3A_469 = tpu.all_reduce %ge3A_468 {dim = 0 : i64, kind = #tpu.reduction_kind<find_first_set>} : vector<16xi1> -> vector<16xi32>
      %broadcast_in_dim3A_470 = arith.constant 15 : i32
      %broadcast_in_dim3A_471 = vector.broadcast %broadcast_in_dim3A_470 : i32 to vector<16xi32>
      %min3A_472 = arith.minsi %all_reduce_ffs3A_469, %broadcast_in_dim3A_471 : vector<16xi32>
      %broadcast_in_dim3A_473 = arith.constant 15 : i32
      %broadcast_in_dim3A_474 = vector.broadcast %broadcast_in_dim3A_473 : i32 to vector<16xi32>
      %sub3A_475 = arith.subi %broadcast_in_dim3A_474, %min3A_472 : vector<16xi32>
      %broadcast_in_dim3A_476 = arith.constant 144 : i32
      %broadcast_in_dim3A_477 = vector.broadcast %broadcast_in_dim3A_476 : i32 to vector<16xi32>
      %add3A_478 = arith.addi %broadcast_in_dim3A_477, %sub3A_475 : vector<16xi32>
      %lt3A_479 = arith.constant 0 : i32
      %lt3A_480 = vector.broadcast %lt3A_479 : i32 to vector<16xi32>
      %lt3A_481 = arith.cmpi slt, %min3A_472, %lt3A_480 : vector<16xi32>
      %add3A_482 = arith.constant 16 : i32
      %add3A_483 = vector.broadcast %add3A_482 : i32 to vector<16xi32>
      %add3A_484 = arith.addi %min3A_472, %add3A_483 : vector<16xi32>
      %select_n3A_485 = arith.select %lt3A_481, %add3A_484, %min3A_472 : vector<16xi1>, vector<16xi32>
      %broadcast_in_dim3A_486 = vector.shape_cast %select_n3A_485 : vector<16xi32> to vector<16x1xi32>
      %gather3A_487 = vector.shape_cast %broadcast_in_dim3A_486 : vector<16x1xi32> to vector<16xi32>
      %gather3A_488 = tpu.dynamic_gather %cumsum3A_454[%gather3A_487] in [0] : vector<16xi32>, vector<16xi32> -> vector<16xi32>
      %add3A_489 = arith.addi %add3A_444, %gather3A_488 : vector<16xi32>
      %lt3A_490 = arith.constant 0 : i32
      %lt3A_491 = vector.broadcast %lt3A_490 : i32 to vector<16xi32>
      %lt3A_492 = arith.cmpi slt, %sub3A_475, %lt3A_491 : vector<16xi32>
      %add3A_493 = arith.constant 16 : i32
      %add3A_494 = vector.broadcast %add3A_493 : i32 to vector<16xi32>
      %add3A_495 = arith.addi %sub3A_475, %add3A_494 : vector<16xi32>
      %select_n3A_496 = arith.select %lt3A_492, %add3A_495, %sub3A_475 : vector<16xi1>, vector<16xi32>
      %broadcast_in_dim3A_497 = vector.shape_cast %select_n3A_496 : vector<16xi32> to vector<16x1xi32>
      %gather3A_498 = vector.shape_cast %broadcast_in_dim3A_497 : vector<16x1xi32> to vector<16xi32>
      %gather3A_499 = tpu.dynamic_gather %get3A_446[%gather3A_498] in [0] : vector<16xi32>, vector<16xi32> -> vector<16xi32>
      %sub3A_500 = arith.subi %add3A_489, %gather3A_499 : vector<16xi32>
      %lt3A_501 = arith.cmpi slt, %add3A_444, %broadcast_in_dim3A_70 : vector<16xi32>
      %add3A_502 = arith.addi %add3A_444, %gather3A_466 : vector<16xi32>
      %ge3A_503 = arith.cmpi sge, %add3A_502, %broadcast_in_dim3A_70 : vector<16xi32>
      %and3A_504 = arith.andi %lt3A_501, %ge3A_503 : vector<16xi1>
      %select_n3A_505 = arith.select %and3A_504, %add3A_478, %select_n3A_442 : vector<16xi1>, vector<16xi32>
      %select_n3A_506 = arith.select %and3A_504, %sub3A_500, %select_n3A_443 : vector<16xi1>, vector<16xi32>
      %add3A_507 = arith.addi %add3A_444, %gather3A_466 : vector<16xi32>
      %get3A_508 = arith.constant 128 : index
      %get3A_509 = tpu.vector_load %arg6[%get3A_508] {strides = array<i32>} : memref<256xi32, #tpu.memory_space<vmem>>, vector<16xi32>,
      %rev3A_510 = arith.constant 15 : i32
      %rev3A_511 = vector.broadcast %rev3A_510 : i32 to vector<16xi32>
      %rev3A_512 = tpu.iota {dimensions = array<i32: 0>} : vector<16xi32>
      %rev3A_513 = arith.subi %rev3A_511, %rev3A_512 : vector<16xi32>
      %rev3A_514 = tpu.dynamic_gather %get3A_509[%rev3A_513] in [0] : vector<16xi32>, vector<16xi32> -> vector<16xi32>
      %cumsum3A_515 = arith.constant true
      %cumsum3A_516 = vector.broadcast %cumsum3A_515 : i1 to vector<16xi1>
      %cumsum3A_517 = tpu.scan <sum>, %rev3A_514 masked %cumsum3A_516 : vector<16xi32>, vector<16xi1> -> vector<16xi32>
      %broadcast_in_dim3A_518 = arith.constant 15 : i32
      %broadcast_in_dim3A_519 = vector.broadcast %broadcast_in_dim3A_518 : i32 to vector<16xi32>
      %lt3A_520 = arith.constant 0 : i32
      %lt3A_521 = vector.broadcast %lt3A_520 : i32 to vector<16xi32>
      %lt3A_522 = arith.cmpi slt, %broadcast_in_dim3A_519, %lt3A_521 : vector<16xi32>
      %add3A_523 = arith.constant 16 : i32
      %add3A_524 = vector.broadcast %add3A_523 : i32 to vector<16xi32>
      %add3A_525 = arith.addi %broadcast_in_dim3A_519, %add3A_524 : vector<16xi32>
      %select_n3A_526 = arith.select %lt3A_522, %add3A_525, %broadcast_in_dim3A_519 : vector<16xi1>, vector<16xi32>
      %broadcast_in_dim3A_527 = vector.shape_cast %select_n3A_526 : vector<16xi32> to vector<16x1xi32>
      %gather3A_528 = vector.shape_cast %broadcast_in_dim3A_527 : vector<16x1xi32> to vector<16xi32>
      %gather3A_529 = tpu.dynamic_gather %cumsum3A_517[%gather3A_528] in [0] : vector<16xi32>, vector<16xi32> -> vector<16xi32>
      %add3A_530 = arith.addi %add3A_507, %cumsum3A_517 : vector<16xi32>
      %ge3A_531 = arith.cmpi sge, %add3A_530, %broadcast_in_dim3A_70 : vector<16xi32>
      %all_reduce_ffs3A_532 = tpu.all_reduce %ge3A_531 {dim = 0 : i64, kind = #tpu.reduction_kind<find_first_set>} : vector<16xi1> -> vector<16xi32>
      %broadcast_in_dim3A_533 = arith.constant 15 : i32
      %broadcast_in_dim3A_534 = vector.broadcast %broadcast_in_dim3A_533 : i32 to vector<16xi32>
      %min3A_535 = arith.minsi %all_reduce_ffs3A_532, %broadcast_in_dim3A_534 : vector<16xi32>
      %broadcast_in_dim3A_536 = arith.constant 15 : i32
      %broadcast_in_dim3A_537 = vector.broadcast %broadcast_in_dim3A_536 : i32 to vector<16xi32>
      %sub3A_538 = arith.subi %broadcast_in_dim3A_537, %min3A_535 : vector<16xi32>
      %broadcast_in_dim3A_539 = arith.constant 128 : i32
      %broadcast_in_dim3A_540 = vector.broadcast %broadcast_in_dim3A_539 : i32 to vector<16xi32>
      %add3A_541 = arith.addi %broadcast_in_dim3A_540, %sub3A_538 : vector<16xi32>
      %lt3A_542 = arith.constant 0 : i32
      %lt3A_543 = vector.broadcast %lt3A_542 : i32 to vector<16xi32>
      %lt3A_544 = arith.cmpi slt, %min3A_535, %lt3A_543 : vector<16xi32>
      %add3A_545 = arith.constant 16 : i32
      %add3A_546 = vector.broadcast %add3A_545 : i32 to vector<16xi32>
      %add3A_547 = arith.addi %min3A_535, %add3A_546 : vector<16xi32>
      %select_n3A_548 = arith.select %lt3A_544, %add3A_547, %min3A_535 : vector<16xi1>, vector<16xi32>
      %broadcast_in_dim3A_549 = vector.shape_cast %select_n3A_548 : vector<16xi32> to vector<16x1xi32>
      %gather3A_550 = vector.shape_cast %broadcast_in_dim3A_549 : vector<16x1xi32> to vector<16xi32>
      %gather3A_551 = tpu.dynamic_gather %cumsum3A_517[%gather3A_550] in [0] : vector<16xi32>, vector<16xi32> -> vector<16xi32>
      %add3A_552 = arith.addi %add3A_507, %gather3A_551 : vector<16xi32>
      %lt3A_553 = arith.constant 0 : i32
      %lt3A_554 = vector.broadcast %lt3A_553 : i32 to vector<16xi32>
      %lt3A_555 = arith.cmpi slt, %sub3A_538, %lt3A_554 : vector<16xi32>
      %add3A_556 = arith.constant 16 : i32
      %add3A_557 = vector.broadcast %add3A_556 : i32 to vector<16xi32>
      %add3A_558 = arith.addi %sub3A_538, %add3A_557 : vector<16xi32>
      %select_n3A_559 = arith.select %lt3A_555, %add3A_558, %sub3A_538 : vector<16xi1>, vector<16xi32>
      %broadcast_in_dim3A_560 = vector.shape_cast %select_n3A_559 : vector<16xi32> to vector<16x1xi32>
      %gather3A_561 = vector.shape_cast %broadcast_in_dim3A_560 : vector<16x1xi32> to vector<16xi32>
      %gather3A_562 = tpu.dynamic_gather %get3A_509[%gather3A_561] in [0] : vector<16xi32>, vector<16xi32> -> vector<16xi32>
      %sub3A_563 = arith.subi %add3A_552, %gather3A_562 : vector<16xi32>
      %lt3A_564 = arith.cmpi slt, %add3A_507, %broadcast_in_dim3A_70 : vector<16xi32>
      %add3A_565 = arith.addi %add3A_507, %gather3A_529 : vector<16xi32>
      %ge3A_566 = arith.cmpi sge, %add3A_565, %broadcast_in_dim3A_70 : vector<16xi32>
      %and3A_567 = arith.andi %lt3A_564, %ge3A_566 : vector<16xi1>
      %select_n3A_568 = arith.select %and3A_567, %add3A_541, %select_n3A_505 : vector<16xi1>, vector<16xi32>
      %select_n3A_569 = arith.select %and3A_567, %sub3A_563, %select_n3A_506 : vector<16xi1>, vector<16xi32>
      %add3A_570 = arith.addi %add3A_507, %gather3A_529 : vector<16xi32>
      %get3A_571 = arith.constant 112 : index
      %get3A_572 = tpu.vector_load %arg6[%get3A_571] {strides = array<i32>} : memref<256xi32, #tpu.memory_space<vmem>>, vector<16xi32>,
      %rev3A_573 = arith.constant 15 : i32
      %rev3A_574 = vector.broadcast %rev3A_573 : i32 to vector<16xi32>
      %rev3A_575 = tpu.iota {dimensions = array<i32: 0>} : vector<16xi32>
      %rev3A_576 = arith.subi %rev3A_574, %rev3A_575 : vector<16xi32>
      %rev3A_577 = tpu.dynamic_gather %get3A_572[%rev3A_576] in [0] : vector<16xi32>, vector<16xi32> -> vector<16xi32>
      %cumsum3A_578 = arith.constant true
      %cumsum3A_579 = vector.broadcast %cumsum3A_578 : i1 to vector<16xi1>
      %cumsum3A_580 = tpu.scan <sum>, %rev3A_577 masked %cumsum3A_579 : vector<16xi32>, vector<16xi1> -> vector<16xi32>
      %broadcast_in_dim3A_581 = arith.constant 15 : i32
      %broadcast_in_dim3A_582 = vector.broadcast %broadcast_in_dim3A_581 : i32 to vector<16xi32>
      %lt3A_583 = arith.constant 0 : i32
      %lt3A_584 = vector.broadcast %lt3A_583 : i32 to vector<16xi32>
      %lt3A_585 = arith.cmpi slt, %broadcast_in_dim3A_582, %lt3A_584 : vector<16xi32>
      %add3A_586 = arith.constant 16 : i32
      %add3A_587 = vector.broadcast %add3A_586 : i32 to vector<16xi32>
      %add3A_588 = arith.addi %broadcast_in_dim3A_582, %add3A_587 : vector<16xi32>
      %select_n3A_589 = arith.select %lt3A_585, %add3A_588, %broadcast_in_dim3A_582 : vector<16xi1>, vector<16xi32>
      %broadcast_in_dim3A_590 = vector.shape_cast %select_n3A_589 : vector<16xi32> to vector<16x1xi32>
      %gather3A_591 = vector.shape_cast %broadcast_in_dim3A_590 : vector<16x1xi32> to vector<16xi32>
      %gather3A_592 = tpu.dynamic_gather %cumsum3A_580[%gather3A_591] in [0] : vector<16xi32>, vector<16xi32> -> vector<16xi32>
      %add3A_593 = arith.addi %add3A_570, %cumsum3A_580 : vector<16xi32>
      %ge3A_594 = arith.cmpi sge, %add3A_593, %broadcast_in_dim3A_70 : vector<16xi32>
      %all_reduce_ffs3A_595 = tpu.all_reduce %ge3A_594 {dim = 0 : i64, kind = #tpu.reduction_kind<find_first_set>} : vector<16xi1> -> vector<16xi32>
      %broadcast_in_dim3A_596 = arith.constant 15 : i32
      %broadcast_in_dim3A_597 = vector.broadcast %broadcast_in_dim3A_596 : i32 to vector<16xi32>
      %min3A_598 = arith.minsi %all_reduce_ffs3A_595, %broadcast_in_dim3A_597 : vector<16xi32>
      %broadcast_in_dim3A_599 = arith.constant 15 : i32
      %broadcast_in_dim3A_600 = vector.broadcast %broadcast_in_dim3A_599 : i32 to vector<16xi32>
      %sub3A_601 = arith.subi %broadcast_in_dim3A_600, %min3A_598 : vector<16xi32>
      %broadcast_in_dim3A_602 = arith.constant 112 : i32
      %broadcast_in_dim3A_603 = vector.broadcast %broadcast_in_dim3A_602 : i32 to vector<16xi32>
      %add3A_604 = arith.addi %broadcast_in_dim3A_603, %sub3A_601 : vector<16xi32>
      %lt3A_605 = arith.constant 0 : i32
      %lt3A_606 = vector.broadcast %lt3A_605 : i32 to vector<16xi32>
      %lt3A_607 = arith.cmpi slt, %min3A_598, %lt3A_606 : vector<16xi32>
      %add3A_608 = arith.constant 16 : i32
      %add3A_609 = vector.broadcast %add3A_608 : i32 to vector<16xi32>
      %add3A_610 = arith.addi %min3A_598, %add3A_609 : vector<16xi32>
      %select_n3A_611 = arith.select %lt3A_607, %add3A_610, %min3A_598 : vector<16xi1>, vector<16xi32>
      %broadcast_in_dim3A_612 = vector.shape_cast %select_n3A_611 : vector<16xi32> to vector<16x1xi32>
      %gather3A_613 = vector.shape_cast %broadcast_in_dim3A_612 : vector<16x1xi32> to vector<16xi32>
      %gather3A_614 = tpu.dynamic_gather %cumsum3A_580[%gather3A_613] in [0] : vector<16xi32>, vector<16xi32> -> vector<16xi32>
      %add3A_615 = arith.addi %add3A_570, %gather3A_614 : vector<16xi32>
      %lt3A_616 = arith.constant 0 : i32
      %lt3A_617 = vector.broadcast %lt3A_616 : i32 to vector<16xi32>
      %lt3A_618 = arith.cmpi slt, %sub3A_601, %lt3A_617 : vector<16xi32>
      %add3A_619 = arith.constant 16 : i32
      %add3A_620 = vector.broadcast %add3A_619 : i32 to vector<16xi32>
      %add3A_621 = arith.addi %sub3A_601, %add3A_620 : vector<16xi32>
      %select_n3A_622 = arith.select %lt3A_618, %add3A_621, %sub3A_601 : vector<16xi1>, vector<16xi32>
      %broadcast_in_dim3A_623 = vector.shape_cast %select_n3A_622 : vector<16xi32> to vector<16x1xi32>
      %gather3A_624 = vector.shape_cast %broadcast_in_dim3A_623 : vector<16x1xi32> to vector<16xi32>
      %gather3A_625 = tpu.dynamic_gather %get3A_572[%gather3A_624] in [0] : vector<16xi32>, vector<16xi32> -> vector<16xi32>
      %sub3A_626 = arith.subi %add3A_615, %gather3A_625 : vector<16xi32>
      %lt3A_627 = arith.cmpi slt, %add3A_570, %broadcast_in_dim3A_70 : vector<16xi32>
      %add3A_628 = arith.addi %add3A_570, %gather3A_592 : vector<16xi32>
      %ge3A_629 = arith.cmpi sge, %add3A_628, %broadcast_in_dim3A_70 : vector<16xi32>
      %and3A_630 = arith.andi %lt3A_627, %ge3A_629 : vector<16xi1>
      %select_n3A_631 = arith.select %and3A_630, %add3A_604, %select_n3A_568 : vector<16xi1>, vector<16xi32>
      %select_n3A_632 = arith.select %and3A_630, %sub3A_626, %select_n3A_569 : vector<16xi1>, vector<16xi32>
      %add3A_633 = arith.addi %add3A_570, %gather3A_592 : vector<16xi32>
      %get3A_634 = arith.constant 96 : index
      %get3A_635 = tpu.vector_load %arg6[%get3A_634] {strides = array<i32>} : memref<256xi32, #tpu.memory_space<vmem>>, vector<16xi32>,
      %rev3A_636 = arith.constant 15 : i32
      %rev3A_637 = vector.broadcast %rev3A_636 : i32 to vector<16xi32>
      %rev3A_638 = tpu.iota {dimensions = array<i32: 0>} : vector<16xi32>
      %rev3A_639 = arith.subi %rev3A_637, %rev3A_638 : vector<16xi32>
      %rev3A_640 = tpu.dynamic_gather %get3A_635[%rev3A_639] in [0] : vector<16xi32>, vector<16xi32> -> vector<16xi32>
      %cumsum3A_641 = arith.constant true
      %cumsum3A_642 = vector.broadcast %cumsum3A_641 : i1 to vector<16xi1>
      %cumsum3A_643 = tpu.scan <sum>, %rev3A_640 masked %cumsum3A_642 : vector<16xi32>, vector<16xi1> -> vector<16xi32>
      %broadcast_in_dim3A_644 = arith.constant 15 : i32
      %broadcast_in_dim3A_645 = vector.broadcast %broadcast_in_dim3A_644 : i32 to vector<16xi32>
      %lt3A_646 = arith.constant 0 : i32
      %lt3A_647 = vector.broadcast %lt3A_646 : i32 to vector<16xi32>
      %lt3A_648 = arith.cmpi slt, %broadcast_in_dim3A_645, %lt3A_647 : vector<16xi32>
      %add3A_649 = arith.constant 16 : i32
      %add3A_650 = vector.broadcast %add3A_649 : i32 to vector<16xi32>
      %add3A_651 = arith.addi %broadcast_in_dim3A_645, %add3A_650 : vector<16xi32>
      %select_n3A_652 = arith.select %lt3A_648, %add3A_651, %broadcast_in_dim3A_645 : vector<16xi1>, vector<16xi32>
      %broadcast_in_dim3A_653 = vector.shape_cast %select_n3A_652 : vector<16xi32> to vector<16x1xi32>
      %gather3A_654 = vector.shape_cast %broadcast_in_dim3A_653 : vector<16x1xi32> to vector<16xi32>
      %gather3A_655 = tpu.dynamic_gather %cumsum3A_643[%gather3A_654] in [0] : vector<16xi32>, vector<16xi32> -> vector<16xi32>
      %add3A_656 = arith.addi %add3A_633, %cumsum3A_643 : vector<16xi32>
      %ge3A_657 = arith.cmpi sge, %add3A_656, %broadcast_in_dim3A_70 : vector<16xi32>
      %all_reduce_ffs3A_658 = tpu.all_reduce %ge3A_657 {dim = 0 : i64, kind = #tpu.reduction_kind<find_first_set>} : vector<16xi1> -> vector<16xi32>
      %broadcast_in_dim3A_659 = arith.constant 15 : i32
      %broadcast_in_dim3A_660 = vector.broadcast %broadcast_in_dim3A_659 : i32 to vector<16xi32>
      %min3A_661 = arith.minsi %all_reduce_ffs3A_658, %broadcast_in_dim3A_660 : vector<16xi32>
      %broadcast_in_dim3A_662 = arith.constant 15 : i32
      %broadcast_in_dim3A_663 = vector.broadcast %broadcast_in_dim3A_662 : i32 to vector<16xi32>
      %sub3A_664 = arith.subi %broadcast_in_dim3A_663, %min3A_661 : vector<16xi32>
      %broadcast_in_dim3A_665 = arith.constant 96 : i32
      %broadcast_in_dim3A_666 = vector.broadcast %broadcast_in_dim3A_665 : i32 to vector<16xi32>
      %add3A_667 = arith.addi %broadcast_in_dim3A_666, %sub3A_664 : vector<16xi32>
      %lt3A_668 = arith.constant 0 : i32
      %lt3A_669 = vector.broadcast %lt3A_668 : i32 to vector<16xi32>
      %lt3A_670 = arith.cmpi slt, %min3A_661, %lt3A_669 : vector<16xi32>
      %add3A_671 = arith.constant 16 : i32
      %add3A_672 = vector.broadcast %add3A_671 : i32 to vector<16xi32>
      %add3A_673 = arith.addi %min3A_661, %add3A_672 : vector<16xi32>
      %select_n3A_674 = arith.select %lt3A_670, %add3A_673, %min3A_661 : vector<16xi1>, vector<16xi32>
      %broadcast_in_dim3A_675 = vector.shape_cast %select_n3A_674 : vector<16xi32> to vector<16x1xi32>
      %gather3A_676 = vector.shape_cast %broadcast_in_dim3A_675 : vector<16x1xi32> to vector<16xi32>
      %gather3A_677 = tpu.dynamic_gather %cumsum3A_643[%gather3A_676] in [0] : vector<16xi32>, vector<16xi32> -> vector<16xi32>
      %add3A_678 = arith.addi %add3A_633, %gather3A_677 : vector<16xi32>
      %lt3A_679 = arith.constant 0 : i32
      %lt3A_680 = vector.broadcast %lt3A_679 : i32 to vector<16xi32>
      %lt3A_681 = arith.cmpi slt, %sub3A_664, %lt3A_680 : vector<16xi32>
      %add3A_682 = arith.constant 16 : i32
      %add3A_683 = vector.broadcast %add3A_682 : i32 to vector<16xi32>
      %add3A_684 = arith.addi %sub3A_664, %add3A_683 : vector<16xi32>
      %select_n3A_685 = arith.select %lt3A_681, %add3A_684, %sub3A_664 : vector<16xi1>, vector<16xi32>
      %broadcast_in_dim3A_686 = vector.shape_cast %select_n3A_685 : vector<16xi32> to vector<16x1xi32>
      %gather3A_687 = vector.shape_cast %broadcast_in_dim3A_686 : vector<16x1xi32> to vector<16xi32>
      %gather3A_688 = tpu.dynamic_gather %get3A_635[%gather3A_687] in [0] : vector<16xi32>, vector<16xi32> -> vector<16xi32>
      %sub3A_689 = arith.subi %add3A_678, %gather3A_688 : vector<16xi32>
      %lt3A_690 = arith.cmpi slt, %add3A_633, %broadcast_in_dim3A_70 : vector<16xi32>
      %add3A_691 = arith.addi %add3A_633, %gather3A_655 : vector<16xi32>
      %ge3A_692 = arith.cmpi sge, %add3A_691, %broadcast_in_dim3A_70 : vector<16xi32>
      %and3A_693 = arith.andi %lt3A_690, %ge3A_692 : vector<16xi1>
      %select_n3A_694 = arith.select %and3A_693, %add3A_667, %select_n3A_631 : vector<16xi1>, vector<16xi32>
      %select_n3A_695 = arith.select %and3A_693, %sub3A_689, %select_n3A_632 : vector<16xi1>, vector<16xi32>
      %add3A_696 = arith.addi %add3A_633, %gather3A_655 : vector<16xi32>
      %get3A_697 = arith.constant 80 : index
      %get3A_698 = tpu.vector_load %arg6[%get3A_697] {strides = array<i32>} : memref<256xi32, #tpu.memory_space<vmem>>, vector<16xi32>,
      %rev3A_699 = arith.constant 15 : i32
      %rev3A_700 = vector.broadcast %rev3A_699 : i32 to vector<16xi32>
      %rev3A_701 = tpu.iota {dimensions = array<i32: 0>} : vector<16xi32>
      %rev3A_702 = arith.subi %rev3A_700, %rev3A_701 : vector<16xi32>
      %rev3A_703 = tpu.dynamic_gather %get3A_698[%rev3A_702] in [0] : vector<16xi32>, vector<16xi32> -> vector<16xi32>
      %cumsum3A_704 = arith.constant true
      %cumsum3A_705 = vector.broadcast %cumsum3A_704 : i1 to vector<16xi1>
      %cumsum3A_706 = tpu.scan <sum>, %rev3A_703 masked %cumsum3A_705 : vector<16xi32>, vector<16xi1> -> vector<16xi32>
      %broadcast_in_dim3A_707 = arith.constant 15 : i32
      %broadcast_in_dim3A_708 = vector.broadcast %broadcast_in_dim3A_707 : i32 to vector<16xi32>
      %lt3A_709 = arith.constant 0 : i32
      %lt3A_710 = vector.broadcast %lt3A_709 : i32 to vector<16xi32>
      %lt3A_711 = arith.cmpi slt, %broadcast_in_dim3A_708, %lt3A_710 : vector<16xi32>
      %add3A_712 = arith.constant 16 : i32
      %add3A_713 = vector.broadcast %add3A_712 : i32 to vector<16xi32>
      %add3A_714 = arith.addi %broadcast_in_dim3A_708, %add3A_713 : vector<16xi32>
      %select_n3A_715 = arith.select %lt3A_711, %add3A_714, %broadcast_in_dim3A_708 : vector<16xi1>, vector<16xi32>
      %broadcast_in_dim3A_716 = vector.shape_cast %select_n3A_715 : vector<16xi32> to vector<16x1xi32>
      %gather3A_717 = vector.shape_cast %broadcast_in_dim3A_716 : vector<16x1xi32> to vector<16xi32>
      %gather3A_718 = tpu.dynamic_gather %cumsum3A_706[%gather3A_717] in [0] : vector<16xi32>, vector<16xi32> -> vector<16xi32>
      %add3A_719 = arith.addi %add3A_696, %cumsum3A_706 : vector<16xi32>
      %ge3A_720 = arith.cmpi sge, %add3A_719, %broadcast_in_dim3A_70 : vector<16xi32>
      %all_reduce_ffs3A_721 = tpu.all_reduce %ge3A_720 {dim = 0 : i64, kind = #tpu.reduction_kind<find_first_set>} : vector<16xi1> -> vector<16xi32>
      %broadcast_in_dim3A_722 = arith.constant 15 : i32
      %broadcast_in_dim3A_723 = vector.broadcast %broadcast_in_dim3A_722 : i32 to vector<16xi32>
      %min3A_724 = arith.minsi %all_reduce_ffs3A_721, %broadcast_in_dim3A_723 : vector<16xi32>
      %broadcast_in_dim3A_725 = arith.constant 15 : i32
      %broadcast_in_dim3A_726 = vector.broadcast %broadcast_in_dim3A_725 : i32 to vector<16xi32>
      %sub3A_727 = arith.subi %broadcast_in_dim3A_726, %min3A_724 : vector<16xi32>
      %broadcast_in_dim3A_728 = arith.constant 80 : i32
      %broadcast_in_dim3A_729 = vector.broadcast %broadcast_in_dim3A_728 : i32 to vector<16xi32>
      %add3A_730 = arith.addi %broadcast_in_dim3A_729, %sub3A_727 : vector<16xi32>
      %lt3A_731 = arith.constant 0 : i32
      %lt3A_732 = vector.broadcast %lt3A_731 : i32 to vector<16xi32>
      %lt3A_733 = arith.cmpi slt, %min3A_724, %lt3A_732 : vector<16xi32>
      %add3A_734 = arith.constant 16 : i32
      %add3A_735 = vector.broadcast %add3A_734 : i32 to vector<16xi32>
      %add3A_736 = arith.addi %min3A_724, %add3A_735 : vector<16xi32>
      %select_n3A_737 = arith.select %lt3A_733, %add3A_736, %min3A_724 : vector<16xi1>, vector<16xi32>
      %broadcast_in_dim3A_738 = vector.shape_cast %select_n3A_737 : vector<16xi32> to vector<16x1xi32>
      %gather3A_739 = vector.shape_cast %broadcast_in_dim3A_738 : vector<16x1xi32> to vector<16xi32>
      %gather3A_740 = tpu.dynamic_gather %cumsum3A_706[%gather3A_739] in [0] : vector<16xi32>, vector<16xi32> -> vector<16xi32>
      %add3A_741 = arith.addi %add3A_696, %gather3A_740 : vector<16xi32>
      %lt3A_742 = arith.constant 0 : i32
      %lt3A_743 = vector.broadcast %lt3A_742 : i32 to vector<16xi32>
      %lt3A_744 = arith.cmpi slt, %sub3A_727, %lt3A_743 : vector<16xi32>
      %add3A_745 = arith.constant 16 : i32
      %add3A_746 = vector.broadcast %add3A_745 : i32 to vector<16xi32>
      %add3A_747 = arith.addi %sub3A_727, %add3A_746 : vector<16xi32>
      %select_n3A_748 = arith.select %lt3A_744, %add3A_747, %sub3A_727 : vector<16xi1>, vector<16xi32>
      %broadcast_in_dim3A_749 = vector.shape_cast %select_n3A_748 : vector<16xi32> to vector<16x1xi32>
      %gather3A_750 = vector.shape_cast %broadcast_in_dim3A_749 : vector<16x1xi32> to vector<16xi32>
      %gather3A_751 = tpu.dynamic_gather %get3A_698[%gather3A_750] in [0] : vector<16xi32>, vector<16xi32> -> vector<16xi32>
      %sub3A_752 = arith.subi %add3A_741, %gather3A_751 : vector<16xi32>
      %lt3A_753 = arith.cmpi slt, %add3A_696, %broadcast_in_dim3A_70 : vector<16xi32>
      %add3A_754 = arith.addi %add3A_696, %gather3A_718 : vector<16xi32>
      %ge3A_755 = arith.cmpi sge, %add3A_754, %broadcast_in_dim3A_70 : vector<16xi32>
      %and3A_756 = arith.andi %lt3A_753, %ge3A_755 : vector<16xi1>
      %select_n3A_757 = arith.select %and3A_756, %add3A_730, %select_n3A_694 : vector<16xi1>, vector<16xi32>
      %select_n3A_758 = arith.select %and3A_756, %sub3A_752, %select_n3A_695 : vector<16xi1>, vector<16xi32>
      %add3A_759 = arith.addi %add3A_696, %gather3A_718 : vector<16xi32>
      %get3A_760 = arith.constant 64 : index
      %get3A_761 = tpu.vector_load %arg6[%get3A_760] {strides = array<i32>} : memref<256xi32, #tpu.memory_space<vmem>>, vector<16xi32>,
      %rev3A_762 = arith.constant 15 : i32
      %rev3A_763 = vector.broadcast %rev3A_762 : i32 to vector<16xi32>
      %rev3A_764 = tpu.iota {dimensions = array<i32: 0>} : vector<16xi32>
      %rev3A_765 = arith.subi %rev3A_763, %rev3A_764 : vector<16xi32>
      %rev3A_766 = tpu.dynamic_gather %get3A_761[%rev3A_765] in [0] : vector<16xi32>, vector<16xi32> -> vector<16xi32>
      %cumsum3A_767 = arith.constant true
      %cumsum3A_768 = vector.broadcast %cumsum3A_767 : i1 to vector<16xi1>
      %cumsum3A_769 = tpu.scan <sum>, %rev3A_766 masked %cumsum3A_768 : vector<16xi32>, vector<16xi1> -> vector<16xi32>
      %broadcast_in_dim3A_770 = arith.constant 15 : i32
      %broadcast_in_dim3A_771 = vector.broadcast %broadcast_in_dim3A_770 : i32 to vector<16xi32>
      %lt3A_772 = arith.constant 0 : i32
      %lt3A_773 = vector.broadcast %lt3A_772 : i32 to vector<16xi32>
      %lt3A_774 = arith.cmpi slt, %broadcast_in_dim3A_771, %lt3A_773 : vector<16xi32>
      %add3A_775 = arith.constant 16 : i32
      %add3A_776 = vector.broadcast %add3A_775 : i32 to vector<16xi32>
      %add3A_777 = arith.addi %broadcast_in_dim3A_771, %add3A_776 : vector<16xi32>
      %select_n3A_778 = arith.select %lt3A_774, %add3A_777, %broadcast_in_dim3A_771 : vector<16xi1>, vector<16xi32>
      %broadcast_in_dim3A_779 = vector.shape_cast %select_n3A_778 : vector<16xi32> to vector<16x1xi32>
      %gather3A_780 = vector.shape_cast %broadcast_in_dim3A_779 : vector<16x1xi32> to vector<16xi32>
      %gather3A_781 = tpu.dynamic_gather %cumsum3A_769[%gather3A_780] in [0] : vector<16xi32>, vector<16xi32> -> vector<16xi32>
      %add3A_782 = arith.addi %add3A_759, %cumsum3A_769 : vector<16xi32>
      %ge3A_783 = arith.cmpi sge, %add3A_782, %broadcast_in_dim3A_70 : vector<16xi32>
      %all_reduce_ffs3A_784 = tpu.all_reduce %ge3A_783 {dim = 0 : i64, kind = #tpu.reduction_kind<find_first_set>} : vector<16xi1> -> vector<16xi32>
      %broadcast_in_dim3A_785 = arith.constant 15 : i32
      %broadcast_in_dim3A_786 = vector.broadcast %broadcast_in_dim3A_785 : i32 to vector<16xi32>
      %min3A_787 = arith.minsi %all_reduce_ffs3A_784, %broadcast_in_dim3A_786 : vector<16xi32>
      %broadcast_in_dim3A_788 = arith.constant 15 : i32
      %broadcast_in_dim3A_789 = vector.broadcast %broadcast_in_dim3A_788 : i32 to vector<16xi32>
      %sub3A_790 = arith.subi %broadcast_in_dim3A_789, %min3A_787 : vector<16xi32>
      %broadcast_in_dim3A_791 = arith.constant 64 : i32
      %broadcast_in_dim3A_792 = vector.broadcast %broadcast_in_dim3A_791 : i32 to vector<16xi32>
      %add3A_793 = arith.addi %broadcast_in_dim3A_792, %sub3A_790 : vector<16xi32>
      %lt3A_794 = arith.constant 0 : i32
      %lt3A_795 = vector.broadcast %lt3A_794 : i32 to vector<16xi32>
      %lt3A_796 = arith.cmpi slt, %min3A_787, %lt3A_795 : vector<16xi32>
      %add3A_797 = arith.constant 16 : i32
      %add3A_798 = vector.broadcast %add3A_797 : i32 to vector<16xi32>
      %add3A_799 = arith.addi %min3A_787, %add3A_798 : vector<16xi32>
      %select_n3A_800 = arith.select %lt3A_796, %add3A_799, %min3A_787 : vector<16xi1>, vector<16xi32>
      %broadcast_in_dim3A_801 = vector.shape_cast %select_n3A_800 : vector<16xi32> to vector<16x1xi32>
      %gather3A_802 = vector.shape_cast %broadcast_in_dim3A_801 : vector<16x1xi32> to vector<16xi32>
      %gather3A_803 = tpu.dynamic_gather %cumsum3A_769[%gather3A_802] in [0] : vector<16xi32>, vector<16xi32> -> vector<16xi32>
      %add3A_804 = arith.addi %add3A_759, %gather3A_803 : vector<16xi32>
      %lt3A_805 = arith.constant 0 : i32
      %lt3A_806 = vector.broadcast %lt3A_805 : i32 to vector<16xi32>
      %lt3A_807 = arith.cmpi slt, %sub3A_790, %lt3A_806 : vector<16xi32>
      %add3A_808 = arith.constant 16 : i32
      %add3A_809 = vector.broadcast %add3A_808 : i32 to vector<16xi32>
      %add3A_810 = arith.addi %sub3A_790, %add3A_809 : vector<16xi32>
      %select_n3A_811 = arith.select %lt3A_807, %add3A_810, %sub3A_790 : vector<16xi1>, vector<16xi32>
      %broadcast_in_dim3A_812 = vector.shape_cast %select_n3A_811 : vector<16xi32> to vector<16x1xi32>
      %gather3A_813 = vector.shape_cast %broadcast_in_dim3A_812 : vector<16x1xi32> to vector<16xi32>
      %gather3A_814 = tpu.dynamic_gather %get3A_761[%gather3A_813] in [0] : vector<16xi32>, vector<16xi32> -> vector<16xi32>
      %sub3A_815 = arith.subi %add3A_804, %gather3A_814 : vector<16xi32>
      %lt3A_816 = arith.cmpi slt, %add3A_759, %broadcast_in_dim3A_70 : vector<16xi32>
      %add3A_817 = arith.addi %add3A_759, %gather3A_781 : vector<16xi32>
      %ge3A_818 = arith.cmpi sge, %add3A_817, %broadcast_in_dim3A_70 : vector<16xi32>
      %and3A_819 = arith.andi %lt3A_816, %ge3A_818 : vector<16xi1>
      %select_n3A_820 = arith.select %and3A_819, %add3A_793, %select_n3A_757 : vector<16xi1>, vector<16xi32>
      %select_n3A_821 = arith.select %and3A_819, %sub3A_815, %select_n3A_758 : vector<16xi1>, vector<16xi32>
      %add3A_822 = arith.addi %add3A_759, %gather3A_781 : vector<16xi32>
      %get3A_823 = arith.constant 48 : index
      %get3A_824 = tpu.vector_load %arg6[%get3A_823] {strides = array<i32>} : memref<256xi32, #tpu.memory_space<vmem>>, vector<16xi32>,
      %rev3A_825 = arith.constant 15 : i32
      %rev3A_826 = vector.broadcast %rev3A_825 : i32 to vector<16xi32>
      %rev3A_827 = tpu.iota {dimensions = array<i32: 0>} : vector<16xi32>
      %rev3A_828 = arith.subi %rev3A_826, %rev3A_827 : vector<16xi32>
      %rev3A_829 = tpu.dynamic_gather %get3A_824[%rev3A_828] in [0] : vector<16xi32>, vector<16xi32> -> vector<16xi32>
      %cumsum3A_830 = arith.constant true
      %cumsum3A_831 = vector.broadcast %cumsum3A_830 : i1 to vector<16xi1>
      %cumsum3A_832 = tpu.scan <sum>, %rev3A_829 masked %cumsum3A_831 : vector<16xi32>, vector<16xi1> -> vector<16xi32>
      %broadcast_in_dim3A_833 = arith.constant 15 : i32
      %broadcast_in_dim3A_834 = vector.broadcast %broadcast_in_dim3A_833 : i32 to vector<16xi32>
      %lt3A_835 = arith.constant 0 : i32
      %lt3A_836 = vector.broadcast %lt3A_835 : i32 to vector<16xi32>
      %lt3A_837 = arith.cmpi slt, %broadcast_in_dim3A_834, %lt3A_836 : vector<16xi32>
      %add3A_838 = arith.constant 16 : i32
      %add3A_839 = vector.broadcast %add3A_838 : i32 to vector<16xi32>
      %add3A_840 = arith.addi %broadcast_in_dim3A_834, %add3A_839 : vector<16xi32>
      %select_n3A_841 = arith.select %lt3A_837, %add3A_840, %broadcast_in_dim3A_834 : vector<16xi1>, vector<16xi32>
      %broadcast_in_dim3A_842 = vector.shape_cast %select_n3A_841 : vector<16xi32> to vector<16x1xi32>
      %gather3A_843 = vector.shape_cast %broadcast_in_dim3A_842 : vector<16x1xi32> to vector<16xi32>
      %gather3A_844 = tpu.dynamic_gather %cumsum3A_832[%gather3A_843] in [0] : vector<16xi32>, vector<16xi32> -> vector<16xi32>
      %add3A_845 = arith.addi %add3A_822, %cumsum3A_832 : vector<16xi32>
      %ge3A_846 = arith.cmpi sge, %add3A_845, %broadcast_in_dim3A_70 : vector<16xi32>
      %all_reduce_ffs3A_847 = tpu.all_reduce %ge3A_846 {dim = 0 : i64, kind = #tpu.reduction_kind<find_first_set>} : vector<16xi1> -> vector<16xi32>
      %broadcast_in_dim3A_848 = arith.constant 15 : i32
      %broadcast_in_dim3A_849 = vector.broadcast %broadcast_in_dim3A_848 : i32 to vector<16xi32>
      %min3A_850 = arith.minsi %all_reduce_ffs3A_847, %broadcast_in_dim3A_849 : vector<16xi32>
      %broadcast_in_dim3A_851 = arith.constant 15 : i32
      %broadcast_in_dim3A_852 = vector.broadcast %broadcast_in_dim3A_851 : i32 to vector<16xi32>
      %sub3A_853 = arith.subi %broadcast_in_dim3A_852, %min3A_850 : vector<16xi32>
      %broadcast_in_dim3A_854 = arith.constant 48 : i32
      %broadcast_in_dim3A_855 = vector.broadcast %broadcast_in_dim3A_854 : i32 to vector<16xi32>
      %add3A_856 = arith.addi %broadcast_in_dim3A_855, %sub3A_853 : vector<16xi32>
      %lt3A_857 = arith.constant 0 : i32
      %lt3A_858 = vector.broadcast %lt3A_857 : i32 to vector<16xi32>
      %lt3A_859 = arith.cmpi slt, %min3A_850, %lt3A_858 : vector<16xi32>
      %add3A_860 = arith.constant 16 : i32
      %add3A_861 = vector.broadcast %add3A_860 : i32 to vector<16xi32>
      %add3A_862 = arith.addi %min3A_850, %add3A_861 : vector<16xi32>
      %select_n3A_863 = arith.select %lt3A_859, %add3A_862, %min3A_850 : vector<16xi1>, vector<16xi32>
      %broadcast_in_dim3A_864 = vector.shape_cast %select_n3A_863 : vector<16xi32> to vector<16x1xi32>
      %gather3A_865 = vector.shape_cast %broadcast_in_dim3A_864 : vector<16x1xi32> to vector<16xi32>
      %gather3A_866 = tpu.dynamic_gather %cumsum3A_832[%gather3A_865] in [0] : vector<16xi32>, vector<16xi32> -> vector<16xi32>
      %add3A_867 = arith.addi %add3A_822, %gather3A_866 : vector<16xi32>
      %lt3A_868 = arith.constant 0 : i32
      %lt3A_869 = vector.broadcast %lt3A_868 : i32 to vector<16xi32>
      %lt3A_870 = arith.cmpi slt, %sub3A_853, %lt3A_869 : vector<16xi32>
      %add3A_871 = arith.constant 16 : i32
      %add3A_872 = vector.broadcast %add3A_871 : i32 to vector<16xi32>
      %add3A_873 = arith.addi %sub3A_853, %add3A_872 : vector<16xi32>
      %select_n3A_874 = arith.select %lt3A_870, %add3A_873, %sub3A_853 : vector<16xi1>, vector<16xi32>
      %broadcast_in_dim3A_875 = vector.shape_cast %select_n3A_874 : vector<16xi32> to vector<16x1xi32>
      %gather3A_876 = vector.shape_cast %broadcast_in_dim3A_875 : vector<16x1xi32> to vector<16xi32>
      %gather3A_877 = tpu.dynamic_gather %get3A_824[%gather3A_876] in [0] : vector<16xi32>, vector<16xi32> -> vector<16xi32>
      %sub3A_878 = arith.subi %add3A_867, %gather3A_877 : vector<16xi32>
      %lt3A_879 = arith.cmpi slt, %add3A_822, %broadcast_in_dim3A_70 : vector<16xi32>
      %add3A_880 = arith.addi %add3A_822, %gather3A_844 : vector<16xi32>
      %ge3A_881 = arith.cmpi sge, %add3A_880, %broadcast_in_dim3A_70 : vector<16xi32>
      %and3A_882 = arith.andi %lt3A_879, %ge3A_881 : vector<16xi1>
      %select_n3A_883 = arith.select %and3A_882, %add3A_856, %select_n3A_820 : vector<16xi1>, vector<16xi32>
      %select_n3A_884 = arith.select %and3A_882, %sub3A_878, %select_n3A_821 : vector<16xi1>, vector<16xi32>
      %add3A_885 = arith.addi %add3A_822, %gather3A_844 : vector<16xi32>
      %get3A_886 = arith.constant 32 : index
      %get3A_887 = tpu.vector_load %arg6[%get3A_886] {strides = array<i32>} : memref<256xi32, #tpu.memory_space<vmem>>, vector<16xi32>,
      %rev3A_888 = arith.constant 15 : i32
      %rev3A_889 = vector.broadcast %rev3A_888 : i32 to vector<16xi32>
      %rev3A_890 = tpu.iota {dimensions = array<i32: 0>} : vector<16xi32>
      %rev3A_891 = arith.subi %rev3A_889, %rev3A_890 : vector<16xi32>
      %rev3A_892 = tpu.dynamic_gather %get3A_887[%rev3A_891] in [0] : vector<16xi32>, vector<16xi32> -> vector<16xi32>
      %cumsum3A_893 = arith.constant true
      %cumsum3A_894 = vector.broadcast %cumsum3A_893 : i1 to vector<16xi1>
      %cumsum3A_895 = tpu.scan <sum>, %rev3A_892 masked %cumsum3A_894 : vector<16xi32>, vector<16xi1> -> vector<16xi32>
      %broadcast_in_dim3A_896 = arith.constant 15 : i32
      %broadcast_in_dim3A_897 = vector.broadcast %broadcast_in_dim3A_896 : i32 to vector<16xi32>
      %lt3A_898 = arith.constant 0 : i32
      %lt3A_899 = vector.broadcast %lt3A_898 : i32 to vector<16xi32>
      %lt3A_900 = arith.cmpi slt, %broadcast_in_dim3A_897, %lt3A_899 : vector<16xi32>
      %add3A_901 = arith.constant 16 : i32
      %add3A_902 = vector.broadcast %add3A_901 : i32 to vector<16xi32>
      %add3A_903 = arith.addi %broadcast_in_dim3A_897, %add3A_902 : vector<16xi32>
      %select_n3A_904 = arith.select %lt3A_900, %add3A_903, %broadcast_in_dim3A_897 : vector<16xi1>, vector<16xi32>
      %broadcast_in_dim3A_905 = vector.shape_cast %select_n3A_904 : vector<16xi32> to vector<16x1xi32>
      %gather3A_906 = vector.shape_cast %broadcast_in_dim3A_905 : vector<16x1xi32> to vector<16xi32>
      %gather3A_907 = tpu.dynamic_gather %cumsum3A_895[%gather3A_906] in [0] : vector<16xi32>, vector<16xi32> -> vector<16xi32>
      %add3A_908 = arith.addi %add3A_885, %cumsum3A_895 : vector<16xi32>
      %ge3A_909 = arith.cmpi sge, %add3A_908, %broadcast_in_dim3A_70 : vector<16xi32>
      %all_reduce_ffs3A_910 = tpu.all_reduce %ge3A_909 {dim = 0 : i64, kind = #tpu.reduction_kind<find_first_set>} : vector<16xi1> -> vector<16xi32>
      %broadcast_in_dim3A_911 = arith.constant 15 : i32
      %broadcast_in_dim3A_912 = vector.broadcast %broadcast_in_dim3A_911 : i32 to vector<16xi32>
      %min3A_913 = arith.minsi %all_reduce_ffs3A_910, %broadcast_in_dim3A_912 : vector<16xi32>
      %broadcast_in_dim3A_914 = arith.constant 15 : i32
      %broadcast_in_dim3A_915 = vector.broadcast %broadcast_in_dim3A_914 : i32 to vector<16xi32>
      %sub3A_916 = arith.subi %broadcast_in_dim3A_915, %min3A_913 : vector<16xi32>
      %broadcast_in_dim3A_917 = arith.constant 32 : i32
      %broadcast_in_dim3A_918 = vector.broadcast %broadcast_in_dim3A_917 : i32 to vector<16xi32>
      %add3A_919 = arith.addi %broadcast_in_dim3A_918, %sub3A_916 : vector<16xi32>
      %lt3A_920 = arith.constant 0 : i32
      %lt3A_921 = vector.broadcast %lt3A_920 : i32 to vector<16xi32>
      %lt3A_922 = arith.cmpi slt, %min3A_913, %lt3A_921 : vector<16xi32>
      %add3A_923 = arith.constant 16 : i32
      %add3A_924 = vector.broadcast %add3A_923 : i32 to vector<16xi32>
      %add3A_925 = arith.addi %min3A_913, %add3A_924 : vector<16xi32>
      %select_n3A_926 = arith.select %lt3A_922, %add3A_925, %min3A_913 : vector<16xi1>, vector<16xi32>
      %broadcast_in_dim3A_927 = vector.shape_cast %select_n3A_926 : vector<16xi32> to vector<16x1xi32>
      %gather3A_928 = vector.shape_cast %broadcast_in_dim3A_927 : vector<16x1xi32> to vector<16xi32>
      %gather3A_929 = tpu.dynamic_gather %cumsum3A_895[%gather3A_928] in [0] : vector<16xi32>, vector<16xi32> -> vector<16xi32>
      %add3A_930 = arith.addi %add3A_885, %gather3A_929 : vector<16xi32>
      %lt3A_931 = arith.constant 0 : i32
      %lt3A_932 = vector.broadcast %lt3A_931 : i32 to vector<16xi32>
      %lt3A_933 = arith.cmpi slt, %sub3A_916, %lt3A_932 : vector<16xi32>
      %add3A_934 = arith.constant 16 : i32
      %add3A_935 = vector.broadcast %add3A_934 : i32 to vector<16xi32>
      %add3A_936 = arith.addi %sub3A_916, %add3A_935 : vector<16xi32>
      %select_n3A_937 = arith.select %lt3A_933, %add3A_936, %sub3A_916 : vector<16xi1>, vector<16xi32>
      %broadcast_in_dim3A_938 = vector.shape_cast %select_n3A_937 : vector<16xi32> to vector<16x1xi32>
      %gather3A_939 = vector.shape_cast %broadcast_in_dim3A_938 : vector<16x1xi32> to vector<16xi32>
      %gather3A_940 = tpu.dynamic_gather %get3A_887[%gather3A_939] in [0] : vector<16xi32>, vector<16xi32> -> vector<16xi32>
      %sub3A_941 = arith.subi %add3A_930, %gather3A_940 : vector<16xi32>
      %lt3A_942 = arith.cmpi slt, %add3A_885, %broadcast_in_dim3A_70 : vector<16xi32>
      %add3A_943 = arith.addi %add3A_885, %gather3A_907 : vector<16xi32>
      %ge3A_944 = arith.cmpi sge, %add3A_943, %broadcast_in_dim3A_70 : vector<16xi32>
      %and3A_945 = arith.andi %lt3A_942, %ge3A_944 : vector<16xi1>
      %select_n3A_946 = arith.select %and3A_945, %add3A_919, %select_n3A_883 : vector<16xi1>, vector<16xi32>
      %select_n3A_947 = arith.select %and3A_945, %sub3A_941, %select_n3A_884 : vector<16xi1>, vector<16xi32>
      %add3A_948 = arith.addi %add3A_885, %gather3A_907 : vector<16xi32>
      %get3A_949 = arith.constant 16 : index
      %get3A_950 = tpu.vector_load %arg6[%get3A_949] {strides = array<i32>} : memref<256xi32, #tpu.memory_space<vmem>>, vector<16xi32>,
      %rev3A_951 = arith.constant 15 : i32
      %rev3A_952 = vector.broadcast %rev3A_951 : i32 to vector<16xi32>
      %rev3A_953 = tpu.iota {dimensions = array<i32: 0>} : vector<16xi32>
      %rev3A_954 = arith.subi %rev3A_952, %rev3A_953 : vector<16xi32>
      %rev3A_955 = tpu.dynamic_gather %get3A_950[%rev3A_954] in [0] : vector<16xi32>, vector<16xi32> -> vector<16xi32>
      %cumsum3A_956 = arith.constant true
      %cumsum3A_957 = vector.broadcast %cumsum3A_956 : i1 to vector<16xi1>
      %cumsum3A_958 = tpu.scan <sum>, %rev3A_955 masked %cumsum3A_957 : vector<16xi32>, vector<16xi1> -> vector<16xi32>
      %broadcast_in_dim3A_959 = arith.constant 15 : i32
      %broadcast_in_dim3A_960 = vector.broadcast %broadcast_in_dim3A_959 : i32 to vector<16xi32>
      %lt3A_961 = arith.constant 0 : i32
      %lt3A_962 = vector.broadcast %lt3A_961 : i32 to vector<16xi32>
      %lt3A_963 = arith.cmpi slt, %broadcast_in_dim3A_960, %lt3A_962 : vector<16xi32>
      %add3A_964 = arith.constant 16 : i32
      %add3A_965 = vector.broadcast %add3A_964 : i32 to vector<16xi32>
      %add3A_966 = arith.addi %broadcast_in_dim3A_960, %add3A_965 : vector<16xi32>
      %select_n3A_967 = arith.select %lt3A_963, %add3A_966, %broadcast_in_dim3A_960 : vector<16xi1>, vector<16xi32>
      %broadcast_in_dim3A_968 = vector.shape_cast %select_n3A_967 : vector<16xi32> to vector<16x1xi32>
      %gather3A_969 = vector.shape_cast %broadcast_in_dim3A_968 : vector<16x1xi32> to vector<16xi32>
      %gather3A_970 = tpu.dynamic_gather %cumsum3A_958[%gather3A_969] in [0] : vector<16xi32>, vector<16xi32> -> vector<16xi32>
      %add3A_971 = arith.addi %add3A_948, %cumsum3A_958 : vector<16xi32>
      %ge3A_972 = arith.cmpi sge, %add3A_971, %broadcast_in_dim3A_70 : vector<16xi32>
      %all_reduce_ffs3A_973 = tpu.all_reduce %ge3A_972 {dim = 0 : i64, kind = #tpu.reduction_kind<find_first_set>} : vector<16xi1> -> vector<16xi32>
      %broadcast_in_dim3A_974 = arith.constant 15 : i32
      %broadcast_in_dim3A_975 = vector.broadcast %broadcast_in_dim3A_974 : i32 to vector<16xi32>
      %min3A_976 = arith.minsi %all_reduce_ffs3A_973, %broadcast_in_dim3A_975 : vector<16xi32>
      %broadcast_in_dim3A_977 = arith.constant 15 : i32
      %broadcast_in_dim3A_978 = vector.broadcast %broadcast_in_dim3A_977 : i32 to vector<16xi32>
      %sub3A_979 = arith.subi %broadcast_in_dim3A_978, %min3A_976 : vector<16xi32>
      %broadcast_in_dim3A_980 = arith.constant 16 : i32
      %broadcast_in_dim3A_981 = vector.broadcast %broadcast_in_dim3A_980 : i32 to vector<16xi32>
      %add3A_982 = arith.addi %broadcast_in_dim3A_981, %sub3A_979 : vector<16xi32>
      %lt3A_983 = arith.constant 0 : i32
      %lt3A_984 = vector.broadcast %lt3A_983 : i32 to vector<16xi32>
      %lt3A_985 = arith.cmpi slt, %min3A_976, %lt3A_984 : vector<16xi32>
      %add3A_986 = arith.constant 16 : i32
      %add3A_987 = vector.broadcast %add3A_986 : i32 to vector<16xi32>
      %add3A_988 = arith.addi %min3A_976, %add3A_987 : vector<16xi32>
      %select_n3A_989 = arith.select %lt3A_985, %add3A_988, %min3A_976 : vector<16xi1>, vector<16xi32>
      %broadcast_in_dim3A_990 = vector.shape_cast %select_n3A_989 : vector<16xi32> to vector<16x1xi32>
      %gather3A_991 = vector.shape_cast %broadcast_in_dim3A_990 : vector<16x1xi32> to vector<16xi32>
      %gather3A_992 = tpu.dynamic_gather %cumsum3A_958[%gather3A_991] in [0] : vector<16xi32>, vector<16xi32> -> vector<16xi32>
      %add3A_993 = arith.addi %add3A_948, %gather3A_992 : vector<16xi32>
      %lt3A_994 = arith.constant 0 : i32
      %lt3A_995 = vector.broadcast %lt3A_994 : i32 to vector<16xi32>
      %lt3A_996 = arith.cmpi slt, %sub3A_979, %lt3A_995 : vector<16xi32>
      %add3A_997 = arith.constant 16 : i32
      %add3A_998 = vector.broadcast %add3A_997 : i32 to vector<16xi32>
      %add3A_999 = arith.addi %sub3A_979, %add3A_998 : vector<16xi32>
      %select_n3A_1000 = arith.select %lt3A_996, %add3A_999, %sub3A_979 : vector<16xi1>, vector<16xi32>
      %broadcast_in_dim3A_1001 = vector.shape_cast %select_n3A_1000 : vector<16xi32> to vector<16x1xi32>
      %gather3A_1002 = vector.shape_cast %broadcast_in_dim3A_1001 : vector<16x1xi32> to vector<16xi32>
      %gather3A_1003 = tpu.dynamic_gather %get3A_950[%gather3A_1002] in [0] : vector<16xi32>, vector<16xi32> -> vector<16xi32>
      %sub3A_1004 = arith.subi %add3A_993, %gather3A_1003 : vector<16xi32>
      %lt3A_1005 = arith.cmpi slt, %add3A_948, %broadcast_in_dim3A_70 : vector<16xi32>
      %add3A_1006 = arith.addi %add3A_948, %gather3A_970 : vector<16xi32>
      %ge3A_1007 = arith.cmpi sge, %add3A_1006, %broadcast_in_dim3A_70 : vector<16xi32>
      %and3A_1008 = arith.andi %lt3A_1005, %ge3A_1007 : vector<16xi1>
      %select_n3A_1009 = arith.select %and3A_1008, %add3A_982, %select_n3A_946 : vector<16xi1>, vector<16xi32>
      %select_n3A_1010 = arith.select %and3A_1008, %sub3A_1004, %select_n3A_947 : vector<16xi1>, vector<16xi32>
      %add3A_1011 = arith.addi %add3A_948, %gather3A_970 : vector<16xi32>
      %get3A_1012 = arith.constant 0 : index
      %get3A_1013 = tpu.vector_load %arg6[%get3A_1012] {strides = array<i32>} : memref<256xi32, #tpu.memory_space<vmem>>, vector<16xi32>,
      %rev3A_1014 = arith.constant 15 : i32
      %rev3A_1015 = vector.broadcast %rev3A_1014 : i32 to vector<16xi32>
      %rev3A_1016 = tpu.iota {dimensions = array<i32: 0>} : vector<16xi32>
      %rev3A_1017 = arith.subi %rev3A_1015, %rev3A_1016 : vector<16xi32>
      %rev3A_1018 = tpu.dynamic_gather %get3A_1013[%rev3A_1017] in [0] : vector<16xi32>, vector<16xi32> -> vector<16xi32>
      %cumsum3A_1019 = arith.constant true
      %cumsum3A_1020 = vector.broadcast %cumsum3A_1019 : i1 to vector<16xi1>
      %cumsum3A_1021 = tpu.scan <sum>, %rev3A_1018 masked %cumsum3A_1020 : vector<16xi32>, vector<16xi1> -> vector<16xi32>
      %broadcast_in_dim3A_1022 = arith.constant 15 : i32
      %broadcast_in_dim3A_1023 = vector.broadcast %broadcast_in_dim3A_1022 : i32 to vector<16xi32>
      %lt3A_1024 = arith.constant 0 : i32
      %lt3A_1025 = vector.broadcast %lt3A_1024 : i32 to vector<16xi32>
      %lt3A_1026 = arith.cmpi slt, %broadcast_in_dim3A_1023, %lt3A_1025 : vector<16xi32>
      %add3A_1027 = arith.constant 16 : i32
      %add3A_1028 = vector.broadcast %add3A_1027 : i32 to vector<16xi32>
      %add3A_1029 = arith.addi %broadcast_in_dim3A_1023, %add3A_1028 : vector<16xi32>
      %select_n3A_1030 = arith.select %lt3A_1026, %add3A_1029, %broadcast_in_dim3A_1023 : vector<16xi1>, vector<16xi32>
      %broadcast_in_dim3A_1031 = vector.shape_cast %select_n3A_1030 : vector<16xi32> to vector<16x1xi32>
      %gather3A_1032 = vector.shape_cast %broadcast_in_dim3A_1031 : vector<16x1xi32> to vector<16xi32>
      %gather3A_1033 = tpu.dynamic_gather %cumsum3A_1021[%gather3A_1032] in [0] : vector<16xi32>, vector<16xi32> -> vector<16xi32>
      %add3A_1034 = arith.addi %add3A_1011, %cumsum3A_1021 : vector<16xi32>
      %ge3A_1035 = arith.cmpi sge, %add3A_1034, %broadcast_in_dim3A_70 : vector<16xi32>
      %all_reduce_ffs3A_1036 = tpu.all_reduce %ge3A_1035 {dim = 0 : i64, kind = #tpu.reduction_kind<find_first_set>} : vector<16xi1> -> vector<16xi32>
      %broadcast_in_dim3A_1037 = arith.constant 15 : i32
      %broadcast_in_dim3A_1038 = vector.broadcast %broadcast_in_dim3A_1037 : i32 to vector<16xi32>
      %min3A_1039 = arith.minsi %all_reduce_ffs3A_1036, %broadcast_in_dim3A_1038 : vector<16xi32>
      %broadcast_in_dim3A_1040 = arith.constant 15 : i32
      %broadcast_in_dim3A_1041 = vector.broadcast %broadcast_in_dim3A_1040 : i32 to vector<16xi32>
      %sub3A_1042 = arith.subi %broadcast_in_dim3A_1041, %min3A_1039 : vector<16xi32>
      %broadcast_in_dim3A_1043 = arith.constant 0 : i32
      %broadcast_in_dim3A_1044 = vector.broadcast %broadcast_in_dim3A_1043 : i32 to vector<16xi32>
      %add3A_1045 = arith.addi %broadcast_in_dim3A_1044, %sub3A_1042 : vector<16xi32>
      %lt3A_1046 = arith.constant 0 : i32
      %lt3A_1047 = vector.broadcast %lt3A_1046 : i32 to vector<16xi32>
      %lt3A_1048 = arith.cmpi slt, %min3A_1039, %lt3A_1047 : vector<16xi32>
      %add3A_1049 = arith.constant 16 : i32
      %add3A_1050 = vector.broadcast %add3A_1049 : i32 to vector<16xi32>
      %add3A_1051 = arith.addi %min3A_1039, %add3A_1050 : vector<16xi32>
      %select_n3A_1052 = arith.select %lt3A_1048, %add3A_1051, %min3A_1039 : vector<16xi1>, vector<16xi32>
      %broadcast_in_dim3A_1053 = vector.shape_cast %select_n3A_1052 : vector<16xi32> to vector<16x1xi32>
      %gather3A_1054 = vector.shape_cast %broadcast_in_dim3A_1053 : vector<16x1xi32> to vector<16xi32>
      %gather3A_1055 = tpu.dynamic_gather %cumsum3A_1021[%gather3A_1054] in [0] : vector<16xi32>, vector<16xi32> -> vector<16xi32>
      %add3A_1056 = arith.addi %add3A_1011, %gather3A_1055 : vector<16xi32>
      %lt3A_1057 = arith.constant 0 : i32
      %lt3A_1058 = vector.broadcast %lt3A_1057 : i32 to vector<16xi32>
      %lt3A_1059 = arith.cmpi slt, %sub3A_1042, %lt3A_1058 : vector<16xi32>
      %add3A_1060 = arith.constant 16 : i32
      %add3A_1061 = vector.broadcast %add3A_1060 : i32 to vector<16xi32>
      %add3A_1062 = arith.addi %sub3A_1042, %add3A_1061 : vector<16xi32>
      %select_n3A_1063 = arith.select %lt3A_1059, %add3A_1062, %sub3A_1042 : vector<16xi1>, vector<16xi32>
      %broadcast_in_dim3A_1064 = vector.shape_cast %select_n3A_1063 : vector<16xi32> to vector<16x1xi32>
      %gather3A_1065 = vector.shape_cast %broadcast_in_dim3A_1064 : vector<16x1xi32> to vector<16xi32>
      %gather3A_1066 = tpu.dynamic_gather %get3A_1013[%gather3A_1065] in [0] : vector<16xi32>, vector<16xi32> -> vector<16xi32>
      %sub3A_1067 = arith.subi %add3A_1056, %gather3A_1066 : vector<16xi32>
      %lt3A_1068 = arith.cmpi slt, %add3A_1011, %broadcast_in_dim3A_70 : vector<16xi32>
      %add3A_1069 = arith.addi %add3A_1011, %gather3A_1033 : vector<16xi32>
      %ge3A_1070 = arith.cmpi sge, %add3A_1069, %broadcast_in_dim3A_70 : vector<16xi32>
      %and3A_1071 = arith.andi %lt3A_1068, %ge3A_1070 : vector<16xi1>
      %select_n3A_1072 = arith.select %and3A_1071, %add3A_1045, %select_n3A_1009 : vector<16xi1>, vector<16xi32>
      %select_n3A_1073 = arith.select %and3A_1071, %sub3A_1067, %select_n3A_1010 : vector<16xi1>, vector<16xi32>
      %add3A_1074 = arith.addi %add3A_1011, %gather3A_1033 : vector<16xi32>
      %sub3A_1075 = arith.subi %broadcast_in_dim3A_70, %select_n3A_1073 : vector<16xi32>
      %broadcast_in_dim3A_1076 = arith.constant 0 : i32
      %broadcast_in_dim3A_1077 = vector.broadcast %broadcast_in_dim3A_1076 : i32 to vector<16xi32>
      %parallel_loop3A_1078 = arith.constant 0 : i32
      %parallel_loop3A_1079 = arith.constant 256 : i32
      %parallel_loop3A_1080 = arith.constant 1 : i32
      %parallel_loop3A_1081 = scf.for %parallel_loop3A_1144 = %parallel_loop3A_1078 to %parallel_loop3A_1079 step %parallel_loop3A_1080 iter_args(%parallel_loop3A_1145 = %broadcast_in_dim3A_1077) -> (vector<16xi32>)  : i32 {
        %parallel_loop3A_1146 = arith.constant 16 : i32
        %parallel_loop3A_1147 = arith.muli %parallel_loop3A_1144, %parallel_loop3A_1146 : i32
        %parallel_loop3A_1148 = arith.index_cast %parallel_loop3A_1147 : i32 to index
        %parallel_loop3A_1149 = tpu.vector_load %arg5[%parallel_loop3A_1148] {strides = array<i32>} : memref<4096xi32, #tpu.memory_space<vmem>>, vector<16xi32>,
        %parallel_loop3A_1150 = arith.constant 24 : i32
        %parallel_loop3A_1151 = vector.broadcast %parallel_loop3A_1150 : i32 to vector<16xi32>
        %parallel_loop3A_1152 = arith.shrui %parallel_loop3A_1149, %parallel_loop3A_1151 : vector<16xi32>
        %parallel_loop3A_1153 = arith.cmpi eq, %parallel_loop3A_1152, %select_n3A_1072 : vector<16xi32>
        %parallel_loop3A_1154 = arith.constant 0 : i32
        %parallel_loop3A_1155 = vector.broadcast %parallel_loop3A_1154 : i32 to vector<16xi32>
        %parallel_loop3A_1156 = arith.select %parallel_loop3A_1153, %broadcast_in_dim3A_66, %parallel_loop3A_1155 : vector<16xi1>, vector<16xi32>
        %parallel_loop3A_1157 = arith.constant true
        %parallel_loop3A_1158 = vector.broadcast %parallel_loop3A_1157 : i1 to vector<16xi1>
        %parallel_loop3A_1159 = tpu.scan <sum>, %parallel_loop3A_1156 masked %parallel_loop3A_1158 : vector<16xi32>, vector<16xi1> -> vector<16xi32>
        %parallel_loop3A_1160 = arith.subi %parallel_loop3A_1159, %parallel_loop3A_1156 : vector<16xi32>
        %parallel_loop3A_1161 = arith.addi %parallel_loop3A_1145, %parallel_loop3A_1160 : vector<16xi32>
        %parallel_loop3A_1162 = tpu.bitcast %parallel_loop3A_1149 : vector<16xi32> -> vector<16xi32>
        tpu.vector_store_idx %arg7[%parallel_loop3A_1161], %parallel_loop3A_1162 masked %parallel_loop3A_1153 : memref<4112xi32, #tpu.memory_space<vmem>>[vector<16xi32>], vector<16xi32>, vector<16xi1>
        %parallel_loop3A_1163 = vector.broadcast %parallel_loop3A_1147 : i32 to vector<16xi32>
        %parallel_loop3A_1164 = tpu.iota {dimensions = array<i32: 0>} : vector<16xi32>
        %parallel_loop3A_1165 = arith.addi %parallel_loop3A_1163, %parallel_loop3A_1164 : vector<16xi32>
        tpu.vector_store_idx %arg8[%parallel_loop3A_1161], %parallel_loop3A_1165 masked %parallel_loop3A_1153 : memref<4112xi32, #tpu.memory_space<vmem>>[vector<16xi32>], vector<16xi32>, vector<16xi1>
        %parallel_loop3A_1166 = tpu.all_reduce %parallel_loop3A_1153 {dim = 0 : i64, kind = #tpu.reduction_kind<sum>} : vector<16xi1> -> vector<16xi32>
        %parallel_loop3A_1167 = arith.addi %parallel_loop3A_1145, %parallel_loop3A_1166 : vector<16xi32>
        scf.yield %parallel_loop3A_1167 : vector<16xi32>
      } {sc.loop_unroll_factor = 8 : i64, sc.parallel_access}
      %iota3A = tpu.iota {dimensions = array<i32: 0>} : vector<16xi32>
      %eq3A = arith.constant 0 : i32
      %eq3A_1082 = vector.broadcast %eq3A : i32 to vector<16xi32>
      %eq3A_1083 = arith.cmpi eq, %iota3A, %eq3A_1082 : vector<16xi32>
      %broadcast_in_dim3A_1084 = arith.constant 0 : i32
      %broadcast_in_dim3A_1085 = vector.broadcast %broadcast_in_dim3A_1084 : i32 to vector<16xi32>
      %select_n3A_1086 = arith.select %eq3A_1083, %parallel_loop3A_1081, %broadcast_in_dim3A_1085 : vector<16xi1>, vector<16xi32>
      %reduce_sum3A = arith.constant true
      %reduce_sum3A_1087 = vector.broadcast %reduce_sum3A : i1 to vector<16xi1>
      %reduce_sum3A_1088 = tpu.scan <sum>, %select_n3A_1086 masked %reduce_sum3A_1087 : vector<16xi32>, vector<16xi1> -> vector<16xi32>
      %reduce_sum3A_1089 = vector.extract %reduce_sum3A_1088[15] : i32 from vector<16xi32>
      %add3A_1090 = arith.constant 15 : i32
      %add3A_1091 = arith.addi %reduce_sum3A_1089, %add3A_1090 : i32
      %jit3A = arith.constant 16 : i32
      %div3A = arith.divsi %add3A_1091, %jit3A : i32
      %sign3A = arith.constant 0 : i32
      %sign3A_1092 = arith.cmpi sgt, %add3A_1091, %sign3A : i32
      %sign3A_1093 = arith.extui %sign3A_1092 : i1 to i32
      %sign3A_1094 = arith.constant 0 : i32
      %sign3A_1095 = arith.cmpi slt, %add3A_1091, %sign3A_1094 : i32
      %sign3A_1096 = arith.extui %sign3A_1095 : i1 to i32
      %sign3A_1097 = arith.subi %sign3A_1093, %sign3A_1096 : i32
      %sign3A_1098 = arith.constant 0 : i32
      %sign3A_1099 = arith.cmpi sgt, %jit3A, %sign3A_1098 : i32
      %sign3A_1100 = arith.extui %sign3A_1099 : i1 to i32
      %sign3A_1101 = arith.constant 0 : i32
      %sign3A_1102 = arith.cmpi slt, %jit3A, %sign3A_1101 : i32
      %sign3A_1103 = arith.extui %sign3A_1102 : i1 to i32
      %sign3A_1104 = arith.subi %sign3A_1100, %sign3A_1103 : i32
      %ne3A = arith.cmpi ne, %sign3A_1097, %sign3A_1104 : i32
      %rem3A = arith.remsi %add3A_1091, %jit3A : i32
      %ne3A_1105 = arith.constant 0 : i32
      %ne3A_1106 = arith.cmpi ne, %rem3A, %ne3A_1105 : i32
      %and3A_1107 = arith.andi %ne3A, %ne3A_1106 : i1
      %sub3A_1108 = arith.constant 1 : i32
      %sub3A_1109 = arith.subi %div3A, %sub3A_1108 : i32
      %select_n3A_1110 = arith.select %and3A_1107, %sub3A_1109, %div3A : i32
      %broadcast_in_dim3A_1111 = arith.constant 24 : i32
      %broadcast_in_dim3A_1112 = vector.broadcast %broadcast_in_dim3A_1111 : i32 to vector<16xi32>
      %shift_left3A = arith.shli %select_n3A_1072, %broadcast_in_dim3A_1112 : vector<16xi32>
      %broadcast_in_dim3A_1113 = arith.constant 0 : i32
      %broadcast_in_dim3A_1114 = vector.broadcast %broadcast_in_dim3A_1113 : i32 to vector<16xi32>
      %scan3A = arith.constant 0 : i32
      %scan3A_1115 = arith.constant 24 : i32
      %scan3A_1116 = arith.addi %scan3A, %scan3A_1115 : i32
      %scan3A_1117 = arith.constant 1 : i32
      %scan3A_1118 = scf.for %scan3A_1144 = %scan3A to %scan3A_1116 step %scan3A_1117 iter_args(%scan3A_1145 = %broadcast_in_dim3A_1114) -> (vector<16xi32>)  : i32 {
        %broadcast_in_dim3A_1146 = arith.constant 23 : i32
        %broadcast_in_dim3A_1147 = vector.broadcast %broadcast_in_dim3A_1146 : i32 to vector<16xi32>
        %broadcast_in_dim3A_1148 = vector.broadcast %scan3A_1144 : i32 to vector<16xi32>
        %sub3A_1149 = arith.subi %broadcast_in_dim3A_1147, %broadcast_in_dim3A_1148 : vector<16xi32>
        %broadcast_in_dim3A_1150 = arith.constant 1 : i32
        %broadcast_in_dim3A_1151 = vector.broadcast %broadcast_in_dim3A_1150 : i32 to vector<16xi32>
        %shift_left3A_1152 = arith.shli %broadcast_in_dim3A_1151, %sub3A_1149 : vector<16xi32>
        %or3A_1153 = arith.ori %scan3A_1145, %shift_left3A_1152 : vector<16xi32>
        %or3A_1154 = arith.ori %shift_left3A, %or3A_1153 : vector<16xi32>
        %broadcast_in_dim3A_1155 = arith.constant 0 : i32
        %broadcast_in_dim3A_1156 = vector.broadcast %broadcast_in_dim3A_1155 : i32 to vector<16xi32>
        %while3A_1157 = arith.constant 0 : i32
        %while3A_1158 = arith.subi %select_n3A_1110, %while3A_1157 : i32
        %while3A_1159 = arith.addi %while3A_1157, %while3A_1158 : i32
        %while3A_1160 = arith.constant 1 : i32
        %while3A_1161 = arith.divsi %while3A_1158, %while3A_1160 : i32
        %while3A_1162 = arith.muli %while3A_1161, %while3A_1160 : i32
        %while3A_1163 = arith.addi %while3A_1157, %while3A_1162 : i32
        %while3A_1164 = arith.constant 1 : i32
        %while3A_1165 = scf.for %while3A_1170 = %while3A_1157 to %while3A_1163 step %while3A_1164 iter_args(%while3A_1171 = %broadcast_in_dim3A_1156) -> (vector<16xi32>)  : i32 {
          %mul3A_1172 = arith.constant 16 : i32
          %mul3A_1173 = arith.muli %while3A_1170, %mul3A_1172 : i32
          %get3A_1174 = arith.index_cast %mul3A_1173 : i32 to index
          %get3A_1175 = tpu.vector_load %arg7[%get3A_1174] {strides = array<i32>} : memref<4112xi32, #tpu.memory_space<vmem>>, vector<16xi32>,
          %bitcast_convert_type3A = tpu.bitcast %get3A_1175 : vector<16xi32> -> vector<16xi32>
          %broadcast_in_dim3A_1176 = arith.constant 0 : i32
          %broadcast_in_dim3A_1177 = vector.broadcast %broadcast_in_dim3A_1176 : i32 to vector<16xi32>
          %mul3A_1178 = arith.constant 16 : i32
          %mul3A_1179 = arith.muli %while3A_1170, %mul3A_1178 : i32
          %add3A_1180 = vector.broadcast %mul3A_1179 : i32 to vector<16xi32>
          %add3A_1181 = arith.addi %broadcast_in_dim3A_1177, %add3A_1180 : vector<16xi32>
          %iota3A_1182 = tpu.iota {dimensions = array<i32: 0>} : vector<16xi32>
          %add3A_1183 = arith.addi %add3A_1181, %iota3A_1182 : vector<16xi32>
          %lt3A_1184 = arith.cmpi slt, %add3A_1183, %parallel_loop3A_1081 : vector<16xi32>
          %ge3A_1185 = arith.cmpi uge, %bitcast_convert_type3A, %or3A_1154 : vector<16xi32>
          %and3A_1186 = arith.andi %ge3A_1185, %lt3A_1184 : vector<16xi1>
          %all_reduce_population_count3A = tpu.all_reduce %and3A_1186 {dim = 0 : i64, kind = #tpu.reduction_kind<sum>} : vector<16xi1> -> vector<16xi32>
          %add3A_1187 = arith.addi %while3A_1171, %all_reduce_population_count3A : vector<16xi32>
          scf.yield %add3A_1187 : vector<16xi32>
        }
        %while3A_1166 = arith.constant 1 : i32
        %while3A_1167 = scf.for %while3A_1170 = %while3A_1163 to %while3A_1159 step %while3A_1166 iter_args(%while3A_1171 = %while3A_1165) -> (vector<16xi32>)  : i32 {
          %mul3A_1172 = arith.constant 16 : i32
          %mul3A_1173 = arith.muli %while3A_1170, %mul3A_1172 : i32
          %get3A_1174 = arith.index_cast %mul3A_1173 : i32 to index
          %get3A_1175 = tpu.vector_load %arg7[%get3A_1174] {strides = array<i32>} : memref<4112xi32, #tpu.memory_space<vmem>>, vector<16xi32>,
          %bitcast_convert_type3A = tpu.bitcast %get3A_1175 : vector<16xi32> -> vector<16xi32>
          %broadcast_in_dim3A_1176 = arith.constant 0 : i32
          %broadcast_in_dim3A_1177 = vector.broadcast %broadcast_in_dim3A_1176 : i32 to vector<16xi32>
          %mul3A_1178 = arith.constant 16 : i32
          %mul3A_1179 = arith.muli %while3A_1170, %mul3A_1178 : i32
          %add3A_1180 = vector.broadcast %mul3A_1179 : i32 to vector<16xi32>
          %add3A_1181 = arith.addi %broadcast_in_dim3A_1177, %add3A_1180 : vector<16xi32>
          %iota3A_1182 = tpu.iota {dimensions = array<i32: 0>} : vector<16xi32>
          %add3A_1183 = arith.addi %add3A_1181, %iota3A_1182 : vector<16xi32>
          %lt3A_1184 = arith.cmpi slt, %add3A_1183, %parallel_loop3A_1081 : vector<16xi32>
          %ge3A_1185 = arith.cmpi uge, %bitcast_convert_type3A, %or3A_1154 : vector<16xi32>
          %and3A_1186 = arith.andi %ge3A_1185, %lt3A_1184 : vector<16xi1>
          %all_reduce_population_count3A = tpu.all_reduce %and3A_1186 {dim = 0 : i64, kind = #tpu.reduction_kind<sum>} : vector<16xi1> -> vector<16xi32>
          %add3A_1187 = arith.addi %while3A_1171, %all_reduce_population_count3A : vector<16xi32>
          scf.yield %add3A_1187 : vector<16xi32>
        }
        %ge3A_1168 = arith.cmpi sge, %while3A_1167, %sub3A_1075 : vector<16xi32>
        %select_n3A_1169 = arith.select %ge3A_1168, %or3A_1153, %scan3A_1145 : vector<16xi1>, vector<16xi32>
        scf.yield %select_n3A_1169 : vector<16xi32>
      }
      %scan3A_1119 = arith.constant 24 : i32
      %or3A = arith.ori %shift_left3A, %scan3A_1118 : vector<16xi32>
      %broadcast_in_dim3A_1120 = arith.constant 0 : i32
      %broadcast_in_dim3A_1121 = vector.broadcast %broadcast_in_dim3A_1120 : i32 to vector<16xi32>
      %while3A = arith.constant 0 : i32
      %while3A_1122 = arith.subi %select_n3A_1110, %while3A : i32
      %while3A_1123 = arith.addi %while3A, %while3A_1122 : i32
      %while3A_1124 = arith.constant 1 : i32
      %while3A_1125 = arith.divsi %while3A_1122, %while3A_1124 : i32
      %while3A_1126 = arith.muli %while3A_1125, %while3A_1124 : i32
      %while3A_1127 = arith.addi %while3A, %while3A_1126 : i32
      %while3A_1128 = arith.constant 1 : i32
      %while3A_1129 = scf.for %while3A_1144 = %while3A to %while3A_1127 step %while3A_1128 iter_args(%while3A_1145 = %broadcast_in_dim3A_1121) -> (vector<16xi32>)  : i32 {
        %mul3A_1146 = arith.constant 16 : i32
        %mul3A_1147 = arith.muli %while3A_1144, %mul3A_1146 : i32
        %get3A_1148 = arith.index_cast %mul3A_1147 : i32 to index
        %get3A_1149 = tpu.vector_load %arg7[%get3A_1148] {strides = array<i32>} : memref<4112xi32, #tpu.memory_space<vmem>>, vector<16xi32>,
        %bitcast_convert_type3A = tpu.bitcast %get3A_1149 : vector<16xi32> -> vector<16xi32>
        %broadcast_in_dim3A_1150 = arith.constant 0 : i32
        %broadcast_in_dim3A_1151 = vector.broadcast %broadcast_in_dim3A_1150 : i32 to vector<16xi32>
        %mul3A_1152 = arith.constant 16 : i32
        %mul3A_1153 = arith.muli %while3A_1144, %mul3A_1152 : i32
        %add3A_1154 = vector.broadcast %mul3A_1153 : i32 to vector<16xi32>
        %add3A_1155 = arith.addi %broadcast_in_dim3A_1151, %add3A_1154 : vector<16xi32>
        %iota3A_1156 = tpu.iota {dimensions = array<i32: 0>} : vector<16xi32>
        %add3A_1157 = arith.addi %add3A_1155, %iota3A_1156 : vector<16xi32>
        %lt3A_1158 = arith.cmpi slt, %add3A_1157, %parallel_loop3A_1081 : vector<16xi32>
        %gt3A = arith.cmpi ugt, %bitcast_convert_type3A, %or3A : vector<16xi32>
        %and3A_1159 = arith.andi %gt3A, %lt3A_1158 : vector<16xi1>
        %all_reduce_population_count3A = tpu.all_reduce %and3A_1159 {dim = 0 : i64, kind = #tpu.reduction_kind<sum>} : vector<16xi1> -> vector<16xi32>
        %add3A_1160 = arith.addi %while3A_1145, %all_reduce_population_count3A : vector<16xi32>
        scf.yield %add3A_1160 : vector<16xi32>
      }
      %while3A_1130 = arith.constant 1 : i32
      %while3A_1131 = scf.for %while3A_1144 = %while3A_1127 to %while3A_1123 step %while3A_1130 iter_args(%while3A_1145 = %while3A_1129) -> (vector<16xi32>)  : i32 {
        %mul3A_1146 = arith.constant 16 : i32
        %mul3A_1147 = arith.muli %while3A_1144, %mul3A_1146 : i32
        %get3A_1148 = arith.index_cast %mul3A_1147 : i32 to index
        %get3A_1149 = tpu.vector_load %arg7[%get3A_1148] {strides = array<i32>} : memref<4112xi32, #tpu.memory_space<vmem>>, vector<16xi32>,
        %bitcast_convert_type3A = tpu.bitcast %get3A_1149 : vector<16xi32> -> vector<16xi32>
        %broadcast_in_dim3A_1150 = arith.constant 0 : i32
        %broadcast_in_dim3A_1151 = vector.broadcast %broadcast_in_dim3A_1150 : i32 to vector<16xi32>
        %mul3A_1152 = arith.constant 16 : i32
        %mul3A_1153 = arith.muli %while3A_1144, %mul3A_1152 : i32
        %add3A_1154 = vector.broadcast %mul3A_1153 : i32 to vector<16xi32>
        %add3A_1155 = arith.addi %broadcast_in_dim3A_1151, %add3A_1154 : vector<16xi32>
        %iota3A_1156 = tpu.iota {dimensions = array<i32: 0>} : vector<16xi32>
        %add3A_1157 = arith.addi %add3A_1155, %iota3A_1156 : vector<16xi32>
        %lt3A_1158 = arith.cmpi slt, %add3A_1157, %parallel_loop3A_1081 : vector<16xi32>
        %gt3A = arith.cmpi ugt, %bitcast_convert_type3A, %or3A : vector<16xi32>
        %and3A_1159 = arith.andi %gt3A, %lt3A_1158 : vector<16xi1>
        %all_reduce_population_count3A = tpu.all_reduce %and3A_1159 {dim = 0 : i64, kind = #tpu.reduction_kind<sum>} : vector<16xi1> -> vector<16xi32>
        %add3A_1160 = arith.addi %while3A_1145, %all_reduce_population_count3A : vector<16xi32>
        scf.yield %add3A_1160 : vector<16xi32>
      }
      %sub3A_1132 = arith.subi %sub3A_1075, %while3A_1131 : vector<16xi32>
      %broadcast_in_dim3A_1133 = arith.constant 0 : i32
      %broadcast_in_dim3A_1134 = vector.broadcast %broadcast_in_dim3A_1133 : i32 to vector<16xi32>
      %scan3A_1135 = arith.constant 0 : i32
      %scan3A_1136 = arith.constant 12 : i32
      %scan3A_1137 = arith.addi %scan3A_1135, %scan3A_1136 : i32
      %scan3A_1138 = arith.constant 1 : i32
      %scan3A_1139 = scf.for %scan3A_1144 = %scan3A_1135 to %scan3A_1137 step %scan3A_1138 iter_args(%scan3A_1145 = %broadcast_in_dim3A_1134) -> (vector<16xi32>)  : i32 {
        %broadcast_in_dim3A_1146 = arith.constant 11 : i32
        %broadcast_in_dim3A_1147 = vector.broadcast %broadcast_in_dim3A_1146 : i32 to vector<16xi32>
        %broadcast_in_dim3A_1148 = vector.broadcast %scan3A_1144 : i32 to vector<16xi32>
        %sub3A_1149 = arith.subi %broadcast_in_dim3A_1147, %broadcast_in_dim3A_1148 : vector<16xi32>
        %broadcast_in_dim3A_1150 = arith.constant 1 : i32
        %broadcast_in_dim3A_1151 = vector.broadcast %broadcast_in_dim3A_1150 : i32 to vector<16xi32>
        %shift_left3A_1152 = arith.shli %broadcast_in_dim3A_1151, %sub3A_1149 : vector<16xi32>
        %sub3A_1153 = arith.subi %shift_left3A_1152, %broadcast_in_dim3A_66 : vector<16xi32>
        %or3A_1154 = arith.ori %scan3A_1145, %sub3A_1153 : vector<16xi32>
        %broadcast_in_dim3A_1155 = arith.constant 0 : i32
        %broadcast_in_dim3A_1156 = vector.broadcast %broadcast_in_dim3A_1155 : i32 to vector<16xi32>
        %while3A_1157 = arith.constant 0 : i32
        %while3A_1158 = arith.subi %select_n3A_1110, %while3A_1157 : i32
        %while3A_1159 = arith.addi %while3A_1157, %while3A_1158 : i32
        %while3A_1160 = arith.constant 1 : i32
        %while3A_1161 = arith.divsi %while3A_1158, %while3A_1160 : i32
        %while3A_1162 = arith.muli %while3A_1161, %while3A_1160 : i32
        %while3A_1163 = arith.addi %while3A_1157, %while3A_1162 : i32
        %while3A_1164 = arith.constant 1 : i32
        %while3A_1165 = scf.for %while3A_1171 = %while3A_1157 to %while3A_1163 step %while3A_1164 iter_args(%while3A_1172 = %broadcast_in_dim3A_1156) -> (vector<16xi32>)  : i32 {
          %mul3A_1173 = arith.constant 16 : i32
          %mul3A_1174 = arith.muli %while3A_1171, %mul3A_1173 : i32
          %get3A_1175 = arith.index_cast %mul3A_1174 : i32 to index
          %get3A_1176 = tpu.vector_load %arg7[%get3A_1175] {strides = array<i32>} : memref<4112xi32, #tpu.memory_space<vmem>>, vector<16xi32>,
          %bitcast_convert_type3A = tpu.bitcast %get3A_1176 : vector<16xi32> -> vector<16xi32>
          %mul3A_1177 = arith.constant 16 : i32
          %mul3A_1178 = arith.muli %while3A_1171, %mul3A_1177 : i32
          %get3A_1179 = arith.index_cast %mul3A_1178 : i32 to index
          %get3A_1180 = tpu.vector_load %arg8[%get3A_1179] {strides = array<i32>} : memref<4112xi32, #tpu.memory_space<vmem>>, vector<16xi32>,
          %broadcast_in_dim3A_1181 = arith.constant 0 : i32
          %broadcast_in_dim3A_1182 = vector.broadcast %broadcast_in_dim3A_1181 : i32 to vector<16xi32>
          %mul3A_1183 = arith.constant 16 : i32
          %mul3A_1184 = arith.muli %while3A_1171, %mul3A_1183 : i32
          %add3A_1185 = vector.broadcast %mul3A_1184 : i32 to vector<16xi32>
          %add3A_1186 = arith.addi %broadcast_in_dim3A_1182, %add3A_1185 : vector<16xi32>
          %iota3A_1187 = tpu.iota {dimensions = array<i32: 0>} : vector<16xi32>
          %add3A_1188 = arith.addi %add3A_1186, %iota3A_1187 : vector<16xi32>
          %lt3A_1189 = arith.cmpi slt, %add3A_1188, %parallel_loop3A_1081 : vector<16xi32>
          %eq3A_1190 = arith.cmpi eq, %bitcast_convert_type3A, %or3A : vector<16xi32>
          %le3A = arith.cmpi sle, %get3A_1180, %or3A_1154 : vector<16xi32>
          %and3A_1191 = arith.andi %eq3A_1190, %le3A : vector<16xi1>
          %and3A_1192 = arith.andi %and3A_1191, %lt3A_1189 : vector<16xi1>
          %all_reduce_population_count3A = tpu.all_reduce %and3A_1192 {dim = 0 : i64, kind = #tpu.reduction_kind<sum>} : vector<16xi1> -> vector<16xi32>
          %add3A_1193 = arith.addi %while3A_1172, %all_reduce_population_count3A : vector<16xi32>
          scf.yield %add3A_1193 : vector<16xi32>
        }
        %while3A_1166 = arith.constant 1 : i32
        %while3A_1167 = scf.for %while3A_1171 = %while3A_1163 to %while3A_1159 step %while3A_1166 iter_args(%while3A_1172 = %while3A_1165) -> (vector<16xi32>)  : i32 {
          %mul3A_1173 = arith.constant 16 : i32
          %mul3A_1174 = arith.muli %while3A_1171, %mul3A_1173 : i32
          %get3A_1175 = arith.index_cast %mul3A_1174 : i32 to index
          %get3A_1176 = tpu.vector_load %arg7[%get3A_1175] {strides = array<i32>} : memref<4112xi32, #tpu.memory_space<vmem>>, vector<16xi32>,
          %bitcast_convert_type3A = tpu.bitcast %get3A_1176 : vector<16xi32> -> vector<16xi32>
          %mul3A_1177 = arith.constant 16 : i32
          %mul3A_1178 = arith.muli %while3A_1171, %mul3A_1177 : i32
          %get3A_1179 = arith.index_cast %mul3A_1178 : i32 to index
          %get3A_1180 = tpu.vector_load %arg8[%get3A_1179] {strides = array<i32>} : memref<4112xi32, #tpu.memory_space<vmem>>, vector<16xi32>,
          %broadcast_in_dim3A_1181 = arith.constant 0 : i32
          %broadcast_in_dim3A_1182 = vector.broadcast %broadcast_in_dim3A_1181 : i32 to vector<16xi32>
          %mul3A_1183 = arith.constant 16 : i32
          %mul3A_1184 = arith.muli %while3A_1171, %mul3A_1183 : i32
          %add3A_1185 = vector.broadcast %mul3A_1184 : i32 to vector<16xi32>
          %add3A_1186 = arith.addi %broadcast_in_dim3A_1182, %add3A_1185 : vector<16xi32>
          %iota3A_1187 = tpu.iota {dimensions = array<i32: 0>} : vector<16xi32>
          %add3A_1188 = arith.addi %add3A_1186, %iota3A_1187 : vector<16xi32>
          %lt3A_1189 = arith.cmpi slt, %add3A_1188, %parallel_loop3A_1081 : vector<16xi32>
          %eq3A_1190 = arith.cmpi eq, %bitcast_convert_type3A, %or3A : vector<16xi32>
          %le3A = arith.cmpi sle, %get3A_1180, %or3A_1154 : vector<16xi32>
          %and3A_1191 = arith.andi %eq3A_1190, %le3A : vector<16xi1>
          %and3A_1192 = arith.andi %and3A_1191, %lt3A_1189 : vector<16xi1>
          %all_reduce_population_count3A = tpu.all_reduce %and3A_1192 {dim = 0 : i64, kind = #tpu.reduction_kind<sum>} : vector<16xi1> -> vector<16xi32>
          %add3A_1193 = arith.addi %while3A_1172, %all_reduce_population_count3A : vector<16xi32>
          scf.yield %add3A_1193 : vector<16xi32>
        }
        %ge3A_1168 = arith.cmpi sge, %while3A_1167, %sub3A_1132 : vector<16xi32>
        %or3A_1169 = arith.ori %scan3A_1145, %shift_left3A_1152 : vector<16xi32>
        %select_n3A_1170 = arith.select %ge3A_1168, %scan3A_1145, %or3A_1169 : vector<16xi1>, vector<16xi32>
        scf.yield %select_n3A_1170 : vector<16xi32>
      }
      %scan3A_1140 = arith.constant 12 : i32
      %parallel_loop3A_1141 = arith.constant 0 : i32
      %parallel_loop3A_1142 = arith.constant 256 : i32
      %parallel_loop3A_1143 = arith.constant 1 : i32
      scf.for %parallel_loop3A_1144 = %parallel_loop3A_1141 to %parallel_loop3A_1142 step %parallel_loop3A_1143  : i32 {
        %parallel_loop3A_1145 = arith.constant 16 : i32
        %parallel_loop3A_1146 = arith.muli %parallel_loop3A_1144, %parallel_loop3A_1145 : i32
        %parallel_loop3A_1147 = arith.index_cast %parallel_loop3A_1146 : i32 to index
        %parallel_loop3A_1148 = tpu.vector_load %arg5[%parallel_loop3A_1147] {strides = array<i32>} : memref<4096xi32, #tpu.memory_space<vmem>>, vector<16xi32>,
        %parallel_loop3A_1149 = vector.broadcast %parallel_loop3A_1146 : i32 to vector<16xi32>
        %parallel_loop3A_1150 = tpu.iota {dimensions = array<i32: 0>} : vector<16xi32>
        %parallel_loop3A_1151 = arith.addi %parallel_loop3A_1149, %parallel_loop3A_1150 : vector<16xi32>
        %parallel_loop3A_1152 = arith.cmpi ugt, %parallel_loop3A_1148, %or3A : vector<16xi32>
        %parallel_loop3A_1153 = arith.cmpi eq, %parallel_loop3A_1148, %or3A : vector<16xi32>
        %parallel_loop3A_1154 = arith.cmpi sle, %parallel_loop3A_1151, %scan3A_1139 : vector<16xi32>
        %parallel_loop3A_1155 = arith.andi %parallel_loop3A_1153, %parallel_loop3A_1154 : vector<16xi1>
        %parallel_loop3A_1156 = arith.ori %parallel_loop3A_1152, %parallel_loop3A_1155 : vector<16xi1>
        %parallel_loop3A_1157 = arith.constant 1.000000e+00 : f32
        %parallel_loop3A_1158 = vector.broadcast %parallel_loop3A_1157 : f32 to vector<16xf32>
        %parallel_loop3A_1159 = arith.constant 0.000000e+00 : f32
        %parallel_loop3A_1160 = vector.broadcast %parallel_loop3A_1159 : f32 to vector<16xf32>
        %parallel_loop3A_1161 = arith.select %parallel_loop3A_1156, %parallel_loop3A_1158, %parallel_loop3A_1160 : vector<16xi1>, vector<16xf32>
        %parallel_loop3A_1162 = arith.index_cast %parallel_loop3A_1146 : i32 to index
        %parallel_loop3A_1163 = tpu.vector_load %arg4[%parallel_loop3A_1162] {strides = array<i32>} : memref<4096xf32, #tpu.memory_space<vmem>>, vector<16xf32>,
        tpu.vector_store %arg4[%parallel_loop3A_1162], %parallel_loop3A_1161 {strides = array<i32>} : memref<4096xf32, #tpu.memory_space<vmem>>, vector<16xf32>,
      } {sc.loop_unroll_factor = 8 : i64, sc.parallel_access}
      "tpu.region"() ({
        %run_scoped3A = tpu.sem_alloc : memref<!tpu.dma_semaphore, #tpu.memory_space<semaphore_mem>>
        %dma_start3A = arith.constant 0 : i32
        %dma_start3A_1144 = tpu.memref_slice %arg3[%add3A, %dma_start3A] : memref<4x4096xf32, #tpu.memory_space<hbm>> -> memref<1x4096xf32, #tpu.memory_space<hbm>>
        %dma_start3A_1145 = tpu.memref_squeeze %dma_start3A_1144 : memref<1x4096xf32, #tpu.memory_space<hbm>> -> memref<4096xf32, #tpu.memory_space<hbm>>
        %dma_start3A_1146 = arith.constant 0 : i32
        %dma_start3A_1147 = tpu.memref_slice %arg3[%add3A, %dma_start3A_1146] : memref<4x4096xf32, #tpu.memory_space<hbm>> -> memref<1x4096xf32, #tpu.memory_space<hbm>>
        %dma_start3A_1148 = tpu.memref_squeeze %dma_start3A_1147 : memref<1x4096xf32, #tpu.memory_space<hbm>> -> memref<4096xf32, #tpu.memory_space<hbm>>
        tpu.enqueue_dma source(%arg4 : memref<4096xf32, #tpu.memory_space<vmem>>) target(%dma_start3A_1148 : memref<4096xf32, #tpu.memory_space<hbm>>) target_semaphore(%run_scoped3A : memref<!tpu.dma_semaphore, #tpu.memory_space<semaphore_mem>>)
        %dma_wait3A = arith.constant 0 : i32
        %dma_wait3A_1149 = tpu.memref_slice %arg3[%add3A, %dma_wait3A] : memref<4x4096xf32, #tpu.memory_space<hbm>> -> memref<1x4096xf32, #tpu.memory_space<hbm>>
        %dma_wait3A_1150 = tpu.memref_squeeze %dma_wait3A_1149 : memref<1x4096xf32, #tpu.memory_space<hbm>> -> memref<4096xf32, #tpu.memory_space<hbm>>
        %dma_wait3A_1151 = arith.constant 0 : i32
        %dma_wait3A_1152 = tpu.memref_slice %arg3[%add3A, %dma_wait3A_1151] : memref<4x4096xf32, #tpu.memory_space<hbm>> -> memref<1x4096xf32, #tpu.memory_space<hbm>>
        %dma_wait3A_1153 = tpu.memref_squeeze %dma_wait3A_1152 : memref<1x4096xf32, #tpu.memory_space<hbm>> -> memref<4096xf32, #tpu.memory_space<hbm>>
        tpu.wait_dma2 semaphore(%run_scoped3A : memref<!tpu.dma_semaphore, #tpu.memory_space<semaphore_mem>>) src(%arg4 : memref<4096xf32, #tpu.memory_space<vmem>>) dst(%dma_wait3A_1153 : memref<4096xf32, #tpu.memory_space<hbm>>)
        tpu.yield
      }) : () -> ()
    } else {
    }
    return
  }
}

module attributes {stable_mosaic.version = 14 : i64} {
  func.func @_matvec_body(%arg0: i32, %arg1: memref<1024x2048xf32, #tpu.memory_space<vmem>>, %arg2: memref<2048x128xf32, #tpu.memory_space<vmem>>, %arg3: memref<1024x1xf32, #tpu.memory_space<vmem>>) attributes {dimension_semantics = [#tpu.dimension_semantics<arbitrary>], iteration_bounds = array<i64: 16>, scalar_prefetch = 0 : i64, scratch_operands = 0 : i64, tpu.core_type = #tpu.core_type<tc>, window_params = [{transform_indices = @transform_0, window_bounds = array<i64: 1024, 2048>}, {pipeline_mode = #tpu.pipeline_mode<synchronous>, transform_indices = @transform_1, window_bounds = array<i64: 2048, 128>}, {transform_indices = @transform_2, window_bounds = array<i64: 1024, 1>}]} {
    %get3A = arith.constant 0 : index
    %get3A_0 = arith.constant 0 : index
    %get3A_1 = vector.load %arg1[%get3A, %get3A_0] : memref<1024x2048xf32, #tpu.memory_space<vmem>>, vector<1024x2048xf32>
    %get3A_2 = arith.constant 0 : index
    %get3A_3 = arith.constant 0 : index
    %get3A_4 = vector.load %arg2[%get3A_2, %get3A_3] : memref<2048x128xf32, #tpu.memory_space<vmem>>, vector<2048x128xf32>
    %dot_general3A = arith.constant dense<0.000000e+00> : vector<1024x128xf32>
    %dot_general3A_5 = tpu.matmul %get3A_1, %get3A_4, %dot_general3A {dimension_numbers = #tpu.dot_dimension_numbers<[1], [0], [0], [1], [0, 0, 1, 1], [], []>, transpose_lhs_hint = false} : vector<1024x2048xf32>, vector<2048x128xf32>, vector<1024x128xf32> -> vector<1024x128xf32>
    %slice3A = vector.extract_strided_slice %dot_general3A_5 {offsets = [0, 0], sizes = [1024, 1], strides = [1, 1]} : vector<1024x128xf32> to vector<1024x1xf32>
    %swap3A = arith.constant 0 : index
    %swap3A_6 = arith.constant 0 : index
    %swap3A_7 = vector.load %arg3[%swap3A, %swap3A_6] : memref<1024x1xf32, #tpu.memory_space<vmem>>, vector<1024x1xf32>
    tpu.vector_store %arg3[%swap3A, %swap3A_6], %slice3A {strides = array<i32>} : memref<1024x1xf32, #tpu.memory_space<vmem>>, vector<1024x1xf32>,
    return
  }
  func.func @transform_0(%arg0: i32) -> (i32, i32) {
    %c0_i32 = arith.constant 0 : i32
    %c0_i32_0 = arith.constant 0 : i32
    return %arg0, %c0_i32 : i32, i32
  }
  func.func @transform_1(%arg0: i32) -> (i32, i32) {
    %c0_i32 = arith.constant 0 : i32
    %c0_i32_0 = arith.constant 0 : i32
    %c0_i32_1 = arith.constant 0 : i32
    return %c0_i32, %c0_i32_0 : i32, i32
  }
  func.func @transform_2(%arg0: i32) -> (i32, i32) {
    %c0_i32 = arith.constant 0 : i32
    %c0_i32_0 = arith.constant 0 : i32
    return %arg0, %c0_i32 : i32, i32
  }
}

</mosaic_0001>

<sc_bundles>
// kernel: kernel.4.cloned.1.call-start
scs
__scs_entry_jumppad:
0x0: {  	(pc) =	sbr.rel $0x88, $3  }
0x1: {  	(tag) =	ssettag $0x0;
	lr =	simm.s32 $0x1  }
0x2: {  	[smem:$0x3F9F] =	sst lr;
	_ =	strace $0xD0000000  }
0x3: {  	_ = 	snop  }
0x4: {  	_ = 	snop  }
0x5: {  	_ = 	snop  }
0x6: {  	_ = 	snop  }
0x7: {  	_ = 	snop  }
__scs_overlays_trampoline_lowered:
0x8: {  	[smem:$0x3FAE] =	sst s0  }
0x9: {  	[smem:$0x3FAF] =	sst s1  }
0xa: {  	[smem:$0x3FB0] =	sst s2  }
0xb: {  	[smem:$0x3FB1] =	sst s3  }
0xc: {  	[smem:$0x3FB2] =	sst s4  }
0xd: {  	[smem:$0x3FB3] =	sst s5  }
0xe: {  	[smem:$0x3FB4] =	sst s6  }
0xf: {  	[smem:$0x3FB5] =	sst s7  }
0x10: {  	[smem:$0x3FB6] =	sst s8  }
0x11: {  	[smem:$0x3FB7] =	sst s9;
	s0 =	simm.s32 @!p0 $0x0  }
0x12: {  	s1 =	sld [smem:$0x3F9D];
	s0 =	simm.s32 @p0 $0x1  }
0x13: {  	[smem:$0x3FB8] =	sst s0;
	s0 =	simm.s32 @!p1 $0x0  }
0x14: {  	s2 =	sld [smem:$0x3F9C];
	s0 =	simm.s32 @p1 $0x1  }
0x15: {  	[smem:$0x3FB9] =	sst s0;
	s0 =	simm.s32 @!p2 $0x0  }
0x16: {  	s3 =	sld [smem:$0x3FDB];
	s0 =	simm.s32 @p2 $0x1  }
0x17: {  	s4 =	simm.s32 $0x1BF5;
	[smem:$0x3FBB] =	sst s0  }
0x18: {  	s0 =	sld [smem:$0x3F9E];
	_ =	swait.ge [sflag:s4], $0x0  }
0x19: {  	s7 =	sld [smem:$0x3F9F]  }
0x1a: {  	s8 =	sadd.s32 $0xFFFFE003, lr  }
0x1b: {  	s9 =	sadd.s32 $0xFFFFFEF7, lr;
	s5 =	simm.s32 $0xFFFFFFFF;
	p2 =	slt.u32 s8, $0xFFFFF086  }
0x1c: {  	p1 =	slt.u32 s9, $0xF7A;
	s5 =	simm.s32 @!p2 $0x0  }
0x1d: {  	s5 =	simm.s32 @p1 $0x1;
	p0 =	seq.s32 s7, s2  }
0x1e: {  	s7 =	smul.u32 @!p0 $0xF7A, s2;
	p2 =	seq.s32 @!p0 s5, $0x0  }
0x1f: {  	s9 =	smul.u32 $0xF7A, s1;
	s8 =	simm.s32 @!p0 $0x1BF5;
	p2 =	por !p2, p0  }
0x20: {  	[sflag:s8] =	ssyncset.s32 @!p0 $0xFFFFF086;
	s6 =	sadd.s32 @!p0 s3, s7;
	s7 =	simm.s32 @!p0 $0x108  }
0x21: {  	s3 =	sadd.s32 s3, s9;
	s6 =	sadd.s32 @!p0 $0x88, s6;
	s7 =	simm.s32 @p2 $0x1082  }
0x22: {  	[simem:s7], [sflag:s8] =	dma.local @!p0 [hbm:s6], $0xF7A  }
0x23: {  	s9 =	sor.u32 $0xD0000000, s2;
	s6 =	simm.s32 $0x108;
	_ =	swait.ge @!p0 [sflag:s8], $0x0  }
0x24: {  	s3 =	sadd.s32 $0x88, s3;
	s6 =	simm.s32 @!p1 $0x1082;
	[sflag:s4] =	ssyncset.s32 $0xFFFFF086  }
0x25: {  	[simem:s6], [sflag:s4] =	dma.local [hbm:s3], $0xF7A  }
0x26: {  	[smem:$0x3F9F] =	sst s1;
	(tag) =	ssettag s2;
	_ =	strace s9  }
0x27: {  	s1 =	sld [smem:$0x3FAF]  }
0x28: {  	s2 =	sld [smem:$0x3FB0]  }
0x29: {  	s4 =	sld [smem:$0x3FB2]  }
0x2a: {  	p0 =	seq.s32 s5, $0x0;
	s5 =	sld [smem:$0x3FB3]  }
0x2b: {  	s6 =	sld [smem:$0x3FB4]  }
0x2c: {  	s7 =	sld [smem:$0x3FB5]  }
0x2d: {  	s3 =	simm.s32 $0x108;
	s8 =	sld [smem:$0x3FB6]  }
0x2e: {  	s3 =	simm.s32 @!p0 $0x1082;
	s9 =	sld [smem:$0x3FB7]  }
0x2f: {  	lr =	sadd.s32 s0, s3;
	s0 =	sld [smem:$0x3FAE]  }
0x30: {  	s3 =	sld [smem:$0x3FB1]  }
0x31: {  	[smem:$0x3FBA] =	sst s10  }
0x32: {  	s10 =	sld [smem:$0x3FB8];
	_ =	sdelay $0x3  }
0x33: {  	p0 =	seq.s32 s10, $0x1;
	s10 =	sld [smem:$0x3FBA];
	_ =	sdelay $0x3  }
0x34: {  	[smem:$0x3FBA] =	sst s10  }
0x35: {  	s10 =	sld [smem:$0x3FB9];
	_ =	sdelay $0x3  }
0x36: {  	p1 =	seq.s32 s10, $0x1;
	s10 =	sld [smem:$0x3FBA];
	_ =	sdelay $0x3  }
0x37: {  	[smem:$0x3FBA] =	sst s10  }
0x38: {  	s10 =	sld [smem:$0x3FBB]  }
0x39: {  	_ = 	snop;
	(pc) =	sbr.ind lr, $3  }
0x3a: {  	_ = 	snop  }
0x3b: {  	_ = 	snop  }
0x3c: {  	p2 =	seq.s32 s10, $0x1;
	s10 =	sld [smem:$0x3FBA]  }
0x3d: {  	_ =	shalt  }
0x3e: {  	_ =	shalt  }
0x3f: {  	_ =	shalt  }
0x40: {  	_ =	shalt  }
0x41: {  	_ =	shalt  }
0x42: {  	_ =	shalt  }
0x43: {  	_ =	shalt  }
0x44: {  	_ =	shalt  }
0x45: {  	_ =	shalt  }
0x46: {  	_ =	shalt  }
0x47: {  	_ =	shalt  }
0x48: {  	_ =	shalt  }
0x49: {  	_ =	shalt  }
0x4a: {  	_ =	shalt  }
0x4b: {  	_ =	shalt  }
0x4c: {  	_ =	shalt  }
0x4d: {  	_ =	shalt  }
0x4e: {  	_ =	shalt  }
0x4f: {  	_ =	shalt  }
0x50: {  	_ =	shalt  }
0x51: {  	_ =	shalt  }
0x52: {  	_ =	shalt  }
0x53: {  	_ =	shalt  }
0x54: {  	_ =	shalt  }
0x55: {  	_ =	shalt  }
0x56: {  	_ =	shalt  }
0x57: {  	_ =	shalt  }
0x58: {  	_ =	shalt  }
0x59: {  	_ =	shalt  }
0x5a: {  	_ =	shalt  }
0x5b: {  	_ =	shalt  }
0x5c: {  	_ =	shalt  }
0x5d: {  	_ =	shalt  }
0x5e: {  	_ =	shalt  }
0x5f: {  	_ =	shalt  }
0x60: {  	_ =	shalt  }
0x61: {  	_ =	shalt  }
0x62: {  	_ =	shalt  }
0x63: {  	_ =	shalt  }
0x64: {  	_ =	shalt  }
0x65: {  	_ =	shalt  }
0x66: {  	_ =	shalt  }
0x67: {  	_ =	shalt  }
0x68: {  	_ =	shalt  }
0x69: {  	_ =	shalt  }
0x6a: {  	_ =	shalt  }
0x6b: {  	_ =	shalt  }
0x6c: {  	_ =	shalt  }
0x6d: {  	_ =	shalt  }
0x6e: {  	_ =	shalt  }
0x6f: {  	_ =	shalt  }
0x70: {  	_ =	shalt  }
0x71: {  	_ =	shalt  }
0x72: {  	_ =	shalt  }
0x73: {  	_ =	shalt  }
0x74: {  	_ =	shalt  }
0x75: {  	_ =	shalt  }
0x76: {  	_ =	shalt  }
0x77: {  	_ =	shalt  }
0x78: {  	_ =	shalt  }
0x79: {  	_ =	shalt  }
0x7a: {  	_ =	shalt  }
0x7b: {  	_ =	shalt  }
0x7c: {  	_ =	shalt  }
0x7d: {  	_ =	shalt  }
0x7e: {  	_ =	shalt  }
0x7f: {  	_ =	shalt  }
0x80: {  	_ =	shalt  }
0x81: {  	_ =	shalt  }
0x82: {  	_ =	shalt  }
0x83: {  	_ =	shalt  }
0x84: {  	_ =	shalt  }
0x85: {  	_ =	shalt  }
0x86: {  	_ =	shalt  }
0x87: {  	_ =	shalt  }
.Lfunc_end0:
.L_simem_size_0:
called_computation_lowered:
.L_overlay_start_0:
0x88: {  	s2 =	sld [smem:$0x3FD9]  }
0x89: {  	s3 =	sld [smem:$0x3FFE];
	_ =	sdelay $0x1  }
0x8a: {  	s1 =	srdreg.scid  }
0x8b: {  	s0 =	sand.u32 $0x1, s1  }
0x8c: {  	s15 =	sshll.u32 s0, $0xA;
	s2 =	sadd.s32 s3, s2  }
0x8d: {  	s2 =	sadd.s32 s2, s15  }
0x8e: {  	[smem:$0x3FC6] =	sst s2  }
0x8f: {  	_ = 	snop  }
0x90: {  	s2 =	sld [smem:$0x3FD0];
	_ =	sdelay $0x2  }
0x91: {  	s16 =	simm.s32 $0xA;
	s4 =	simm.s32 $0x10  }
0x92: {  	[smem:s4], [sflag:s16] =	dma.local [hbm:s2], $0x1  }
0x93: {  	_ =	swait.eq [sflag:s16], $0x1  }
0x94: {  	[sflag:s16] =	ssyncset.done $0x0  }
0x95: {  	s17 =	sld [smem:$0x11];
	[sflag:s16] =	ssyncadd.s32 $0xFFFFFFFF  }
0x96: {  	s18 =	sld [smem:$0x12];
	(tm) =	ssettm $0x1  }
0x97: {  	s19 =	sld [smem:$0x3FFB];
	_ =	sdelay $0x3  }
0x98: {  	_ =	strace s19  }
0x99: {  	s4 =	sld [smem:$0x3FFC];
	_ =	sdelay $0x3  }
0x9a: {  	_ =	strace s4  }
0x9b: {  	s4 =	sld [smem:$0x3FFD];
	_ =	sdelay $0x3  }
0x9c: {  	_ =	strace s4  }
0x9d: {  	_ =	strace $0x8FFFFFFF  }
0x9e: {  	s20 =	sld [smem:$0x3FDB];
	_ =	sdelay $0x1  }
0x9f: {  	s5 =	simm.s32 $_scs_section_size  }
0xa0: {  	s6 =	simm.s32 $_size__tile_overlayer_lowered;
	s7 =	simm.s32 $_tile_overlayer_lowered  }
0xa1: {  	s23 =	simm.s32 $0x1BFF;
	s22 =	sshll.u32 s7, $0x1;
	s4 =	sadd.s32 s5, s20  }
0xa2: {  	s8 =	simm.s32 $0x0;
	s21 =	sshll.u32 s6, $0x1;
	s6 =	sadd.s32 s22, s4  }
0xa3: {  	[timem:s8], [sflag:s23] =	dma.local [hbm:s6], s21  }
0xa4: {  	_ =	swait.ge [sflag:s23], s21  }
0xa5: {  	s5 =	ssub.s32 $0x0, s21;
	[sflag:s23] =	ssyncset.done $0x0  }
0xa6: {  	[sflag:s23] =	ssyncadd.s32 s5;
	_ =	sdelay $0x1  }
0xa7: {  	s24 =	simm.s32 $0x1B8B  }
0xa8: {  	_ =	swait.ge [sflag:s24], $0x1  }
0xa9: {  	[sflag:s24] =	ssyncset.done $0x0  }
0xaa: {  	s25 =	simm.s32 $0x1B8E;
	[sflag:s24] =	ssyncadd.s32 $0xFFFFFFFF  }
0xab: {  	s26 =	simm.s32 $execute0_lowered;
	[smem:$0x3FD2] =	sst s25  }
0xac: {  	s5 =	sshll.u32 s26, $0x1;
	_ =	strace $0x80000046;
	[dreg:$0x1] =	wrdreg $0xFFFFFFFF  }
0xad: {  	s28 =	simm.s32 $_size_execute0_lowered;
	s4 =	sadd.s32 s4, s5;
	[dreg:$0x0] =	wrdreg $0x0  }
0xae: {  	s5 =	sshll.u32 s28, $0x1;
	[dreg:$0x2] =	wrdreg s4  }
0xaf: {  	[dreg:$0x3] =	wrdreg s5  }
0xb0: {  	[dreg:$0x4] =	wrdreg $0xC0  }
0xb1: {  	_ =	task [dreg:s8], $0x5FFFF  }
0xb2: {  	[dreg:$0x1] =	wrdreg $0xFFFFFFFF  }
0xb3: {  	[dreg:$0x0] =	wrdreg $0x60  }
0xb4: {  	[dreg:$0x2] =	wrdreg s18  }
0xb5: {  	[dreg:$0x3] =	wrdreg s17  }
0xb6: {  	[dreg:$0x4] =	wrdreg $0x9  }
0xb7: {  	_ =	task.clear_ibuf [dreg:s8], $0x5FFFF;
	_ =	strace $0x90000046  }
0xb8: {  	s29 =	simm.s32 $0x9;
	_ =	strace $0x80000048  }
0xb9: {  	_ =	swait.ge [sflag:s29], $0x1  }
0xba: {  	[sflag:s29] =	ssyncadd.s32 $0xFFFFFFFF  }
0xbb: {  	_ =	strace $0x90000048  }
0xbc: {  	_ =	sfence  }
0xbd: {  	s30 =	sld [smem:$0x0];
	_ =	sdelay $0x2  }
0xbe: {  	s31 =	sshll.u32 s1, $0xD;
	s1 =	sshrl.u32 s1, $0x2  }
0xbf: {  	s3 =	sand.u32 $0x4000, s31;
	s1 =	sadd.s32 s1, s30  }
0xc0: {  	s0 =	sor.u32 s3, s0;
	s1 =	sshll.u32 s1, $0x11  }
0xc1: {  	s0 =	sor.u32 s1, s0  }
0xc2: {  	s0 =	sadd.s32 $0x8F2B, s0  }
0xc3: {  	[sflag:s0] =	ssyncadd.remote.s32 $0x1  }
0xc4: {  	_ =	sfence.sel $0xFFFF  }
0xc5: {  	[dreg:$0x0] =	wrdreg $0xFFFFFFFF;
	(pc) =	sbr.abs _section_cstart, $3  }
0xc6: {  	[dreg:$0x1] =	wrdreg $0xFFFFFFFF  }
0xc7: {  	_ =	task.clear_ibuf [dreg:s8], $0x2FFFF;
	_ =	strace $0x9FFFFFFF  }
0xc8: {  	(tm) =	ssettm $0x7FFFFFFF  }
0xc9: {  	_ =	shalt  }
tec
execute0_lowered:
.L_overlay_start_1:
0x0: {  	(tag) =	ssettag $0x1  }
0x1: {  	s1 =	stileid.u32  }
0x2: {  	p0 =	sgt.u32 s1, $0x1  }
.Ltmp0:
0x3: {  	_ = 	snop;
	(pc) =	sbr.rel @p0 .LBB2_25-.Ltmp0, $4  }
0x4: {  	s4 =	rddreg [dreg:$0x0]  }
0x5: {  	s3 =	rddreg [dreg:$0x1];
	s2 =	simm.s32 $0x0  }
0x6: {  	[smem:$0x7FF] =	sst s2  }
0x7: {  	s0 =	rddreg [dreg:$0x2];
	_ =	strace $0x80000047  }
0x8: {  	s5 =	srdreg.scid;
	s6 =	sshll.u32 s1, $0x5;
	s8 =	simm.s32 $0x1  }
0x9: {  	s9 =	simm.s32 $0x2000;
	s10 =	simm.s32 $0x2100;
	s5 =	sand.u32 $0x1, s5  }
0xa: {  	v0 =	vlaneseq.u32;
	s11 =	simm.s32 $0x3180;
	s7 =	sshll.u32 s5, $0x4;
	s5 =	ssub.s32 $0x2, s5  }
0xb: {  	s12 =	simm.s32 $0x0;
	v3 =	vmul.u32 $0xFFFFFFFF, v0;
	s6 =	sor.u32 s7, s6;
	s31 =	sshrl.u32 s5, $0x1  }
0xc: {  	v1 =	vimm.s32 $0x0;
	s7 =	simm.s32 $0x200;
	s3 =	sadd.s32 s3, s6;
	s5 =	ssub.s32 s5, s31  }
0xd: {  	v2 =	vimm.s32 $0x1;
	v5 =	vimm.f32 $0.0e+00;
	v3 =	vadd.s32 $0xF, v3;
	s4 =	sadd.s32 s4, s6;
	s6 =	simm.s32 $0x80;
	s5 =	smax.u32 s5, $0x1  }
.LBB2_2:
0xe: {  	[tilespmem:s2], [sflag:$0x1] =	stream.strided.gather [hbm4b:s4+s6], $0x1000, s7, s6, $0x38;
	[tilespmem:$0x4200] =	vst v63  }
0xf: {  	_ =	swait.ge [sflag:s8], $0x1000  }
0x10: {  	[sflag:s8] =	ssyncset.done $0x0  }
0x11: {  	[sflag:s8] =	ssyncadd.s32 $0xFFFFF000  }
0x12: {  	[tilespmem:$0x2000] =	vst v1  }
0x13: {  	[tilespmem:$0x2010] =	vst v1  }
0x14: {  	[tilespmem:$0x2020] =	vst v1  }
0x15: {  	[tilespmem:$0x2030] =	vst v1  }
0x16: {  	[tilespmem:$0x2040] =	vst v1  }
0x17: {  	[tilespmem:$0x2050] =	vst v1  }
0x18: {  	[tilespmem:$0x2060] =	vst v1  }
0x19: {  	[tilespmem:$0x2070] =	vst v1  }
0x1a: {  	[tilespmem:$0x2080] =	vst v1  }
0x1b: {  	[tilespmem:$0x2090] =	vst v1  }
0x1c: {  	[tilespmem:$0x20A0] =	vst v1  }
0x1d: {  	[tilespmem:$0x20B0] =	vst v1  }
0x1e: {  	[tilespmem:$0x20C0] =	vst v1  }
0x1f: {  	[tilespmem:$0x20D0] =	vst v1  }
0x20: {  	[tilespmem:$0x20E0] =	vst v1  }
0x21: {  	s14 =	simm.s32 $0x40;
	[tilespmem:$0x20F0] =	vst v1  }
0x22: {  	v4 =	vld [tilespmem:s14+$0x10]  }
0x23: {  	v8 =	vld [tilespmem:s14+$0xFFFFFFD0]  }
0x24: {  	v9 =	vld [tilespmem:s14+$0xFFFFFFC0]  }
0x25: {  	v10 =	vld [tilespmem:s14+$0x30]  }
0x26: {  	v14 =	vld [tilespmem:s14+$0xFFFFFFE0]  }
0x27: {  	vm0 =	vlt.s32 v4, $0x0;
	v6 =	vxor.u32 $0xFFFFFFFF, v4;
	v4 =	vor.u32 $0x80000000, v4  }
0x28: {  	v7 =	vld [tilespmem:s14+$0x20];
	vm1 =	vlt.s32 v8, $0x0;
	v11 =	vxor.u32 $0xFFFFFFFF, v8;
	v13 =	vsel vm0, v6, v4  }
0x29: {  	v8 =	vor.u32 $0x80000000, v8;
	v12 =	vor.u32 $0x80000000, v9;
	v6 =	vld [tilespmem:s14+$0xFFFFFFF0];
	v15 =	vshrl.u32 v13, $0x18  }
0x2a: {  	v16 =	vxor.u32 $0xFFFFFFFF, v10;
	v4 =	vxor.u32 $0xFFFFFFFF, v9;
	vm0 =	vlt.s32 v9, $0x0  }
0x2b: {  	v17 =	vor.u32 $0x80000000, v10;
	vm2 =	vlt.s32 v14, $0x0;
	v12 =	vsel vm0, v4, v12  }
0x2c: {  	s13 =	simm.s32 $0x1040;
	vm3 =	vlt.s32 v10, $0x0;
	v9 =	vsel vm1, v11, v8;
	v8 =	vld [tilespmem:s14+$0x0];
	v11 =	vshrl.u32 v12, $0x18  }
0x2d: {  	v10 =	vsel vm3, v16, v17;
	v4 =	vshrl.u32 v9, $0x18;
	vm0 =	vlt.s32 v7, $0x0;
	[tilespmem:s13+$0x10] =	vst v13  }
0x2e: {  	s15 =	simm.s32 $0xC0;
	s16 =	simm.s32 $0x1040;
	s14 =	simm.s32 $0x0;
	v13 =	vxor.u32 $0xFFFFFFFF, v14;
	v14 =	vor.u32 $0x80000000, v14;
	vm1 =	vlt.s32 v6, $0x0;
	[tilespmem:v15+s9+$0x0] =	vst.idx.add.s32.msk $0xffff, v2  }
.LBB2_3:
0x2f: {  	v15 =	vld [tilespmem:s15+$0xFFFFFFD0];
	s14 =	sadd.s32 $0x8, s14;
	[tilespmem:s13+$0xFFFFFFC0] =	vst v12;
	v12 =	vsel vm2, v13, v14;
	v13 =	vor.u32 $0x80000000, v6;
	v14 =	vor.u32 $0x80000000, v7;
	s16 =	sadd.s32 $0x80, s16  }
0x30: {  	v16 =	vxor.u32 $0xFFFFFFFF, v6;
	v7 =	vxor.u32 $0xFFFFFFFF, v7;
	p0 =	slt.u32 s14, $0xF8;
	[tilespmem:s13+$0xFFFFFFD0] =	vst v9;
	v9 =	vshrl.u32 v12, $0x18;
	v6 =	vld [tilespmem:s15+$0xFFFFFFF0]  }
0x31: {  	[tilespmem:v11+s9+$0x0] =	vst.idx.add.s32.msk $0xffff, v2;
	v11 =	vsel vm1, v16, v13;
	vm1 =	vlt.s32 v8, $0x0;
	v13 =	vshrl.u32 v10, $0x18  }
0x32: {  	v17 =	vxor.u32 $0xFFFFFFFF, v8;
	v8 =	vor.u32 $0x80000000, v8;
	v16 =	vld [tilespmem:s15+$0x10];
	[tilespmem:s13+$0xFFFFFFF0] =	vst v11;
	v11 =	vshrl.u32 v11, $0x18  }
0x33: {  	v8 =	vsel vm1, v17, v8;
	v18 =	vld [tilespmem:s15+$0xFFFFFFC0];
	[tilespmem:s13+$0xFFFFFFE0] =	vst v12;
	v12 =	vsel vm0, v7, v14  }
0x34: {  	v7 =	vld [tilespmem:s15+$0x20];
	v14 =	vshrl.u32 v12, $0x18;
	[tilespmem:s13+$0x30] =	vst v10  }
0x35: {  	[tilespmem:v9+s9+$0x0] =	vst.idx.add.s32.msk $0xffff, v2  }
0x36: {  	v10 =	vshrl.u32 v8, $0x18;
	[tilespmem:v13+s9+$0x0] =	vst.idx.add.s32.msk $0xffff, v2  }
0x37: {  	vm0 =	vlt.s32 v16, $0x0;
	v9 =	vxor.u32 $0xFFFFFFFF, v16;
	v13 =	vor.u32 $0x80000000, v16;
	v16 =	vld [tilespmem:s15+$0x30];
	[tilespmem:s13+$0x0] =	vst v8  }
0x38: {  	vm1 =	vlt.s32 v15, $0x0;
	v8 =	vxor.u32 $0xFFFFFFFF, v15;
	v17 =	vld [tilespmem:s15+$0xFFFFFFE0];
	v13 =	vsel vm0, v9, v13;
	[tilespmem:s13+$0x20] =	vst v12;
	s13 =	smov.u32 s16  }
0x39: {  	v12 =	vxor.u32 $0xFFFFFFFF, v18;
	v9 =	vor.u32 $0x80000000, v15;
	v15 =	vshrl.u32 v13, $0x18;
	[tilespmem:v14+s9+$0x0] =	vst.idx.add.s32.msk $0xffff, v2  }
.Ltmp1:
0x3a: {  	vm0 =	vlt.s32 v18, $0x0;
	v14 =	vor.u32 $0x80000000, v18;
	v9 =	vsel vm1, v8, v9;
	[tilespmem:v4+s9+$0x0] =	vst.idx.add.s32.msk $0xffff, v2;
	(pc) =	sbr.rel @p0 .LBB2_3-.Ltmp1, $4  }
0x3b: {  	v12 =	vsel vm0, v12, v14;
	v4 =	vshrl.u32 v9, $0x18;
	vm0 =	vlt.s32 v7, $0x0;
	[tilespmem:v11+s9+$0x0] =	vst.idx.add.s32.msk $0xffff, v2  }
0x3c: {  	v11 =	vshrl.u32 v12, $0x18;
	v8 =	vld [tilespmem:s15+$0x0];
	[tilespmem:s16+$0x10] =	vst v13;
	v18 =	vxor.u32 $0xFFFFFFFF, v16;
	v19 =	vor.u32 $0x80000000, v16  }
0x3d: {  	vm3 =	vlt.s32 v16, $0x0;
	vm2 =	vlt.s32 v17, $0x0;
	v13 =	vxor.u32 $0xFFFFFFFF, v17;
	[tilespmem:v10+s9+$0x0] =	vst.idx.add.s32.msk $0xffff, v2  }
0x3e: {  	vm1 =	vlt.s32 v6, $0x0;
	s15 =	sadd.s32 $0x80, s15;
	v14 =	vor.u32 $0x80000000, v17;
	v10 =	vsel vm3, v18, v19;
	[tilespmem:v15+s9+$0x0] =	vst.idx.add.s32.msk $0xffff, v2  }
0x3f: {  	_ = 	snop  }
0x40: {  	[tilespmem:s13+$0xFFFFFFC0] =	vst v12  }
0x41: {  	[tilespmem:s13+$0xFFFFFFD0] =	vst v9  }
0x42: {  	v12 =	vsel vm2, v13, v14;
	[tilespmem:s13+$0x30] =	vst v10  }
0x43: {  	v13 =	vor.u32 $0x80000000, v6;
	v6 =	vxor.u32 $0xFFFFFFFF, v6;
	v9 =	vshrl.u32 v12, $0x18;
	[tilespmem:v11+s9+$0x0] =	vst.idx.add.s32.msk $0xffff, v2  }
0x44: {  	v6 =	vsel vm1, v6, v13;
	v13 =	vor.u32 $0x80000000, v7;
	v7 =	vxor.u32 $0xFFFFFFFF, v7;
	[tilespmem:s13+$0xFFFFFFE0] =	vst v12  }
0x45: {  	v11 =	vshrl.u32 v10, $0x18;
	[tilespmem:v4+s9+$0x0] =	vst.idx.add.s32.msk $0xffff, v2;
	v7 =	vsel vm0, v7, v13;
	vm0 =	vlt.s32 v8, $0x0  }
0x46: {  	[tilespmem:s13+$0xFFFFFFF0] =	vst v6;
	v10 =	vxor.u32 $0xFFFFFFFF, v8;
	v8 =	vor.u32 $0x80000000, v8;
	v6 =	vshrl.u32 v6, $0x18  }
0x47: {  	v12 =	vshrl.u32 v7, $0x18;
	v8 =	vsel vm0, v10, v8;
	[tilespmem:s13+$0x20] =	vst v7  }
0x48: {  	[tilespmem:v9+s9+$0x0] =	vst.idx.add.s32.msk $0xffff, v2;
	v9 =	vshrl.u32 v8, $0x18  }
0x49: {  	[tilespmem:s13+$0x0] =	vst v8  }
0x4a: {  	[tilespmem:v11+s9+$0x0] =	vst.idx.add.s32.msk $0xffff, v2  }
0x4b: {  	[tilespmem:v6+s9+$0x0] =	vst.idx.add.s32.msk $0xffff, v2  }
0x4c: {  	[tilespmem:v12+s9+$0x0] =	vst.idx.add.s32.msk $0xffff, v2  }
0x4d: {  	[tilespmem:v9+s9+$0x0] =	vst.idx.add.s32.msk $0xffff, v2  }
0x4e: {  	v4 =	vld [tilespmem:$0x20F0];
	_ =	sdelay $0x1  }
0x4f: {  	v7 =	vld [tilespmem:$0x20E0];
	_ =	sdelay $0x2  }
0x50: {  	[tilespmem:$0x1FDB0] =	vst v4;
	v4 =	vperm.xlane v4, v3  }
0x51: {  	v6 =	vld [tilespmem:$0x20D0]  }
0x52: {  	(xrf0) =	vadd.scan.msk.s32 $0xffff, v4;
	v4 =	vperm.xlane v7, v3;
	_ =	sdelay $0x1  }
0x53: {  	[tilespmem:$0x1FE20] =	vst v7;
	v7 =	vld [tilespmem:$0x20C0];
	(xrf0) =	vadd.scan.msk.s32 $0xffff, v4;
	_ =	sdelay $0x1  }
0x54: {  	v21 =	vld [tilespmem:$0x2080];
	v4 =	vperm.xlane v6, v3;
	_ =	sdelay $0x1  }
0x55: {  	v43 =	vimm.s32 $0xF;
	v9 =	vld [tilespmem:$0x20B0];
	(xrf0) =	vadd.scan.msk.s32 $0xffff, v4;
	v23, _, _ =	vpop (xrf0)  }
0x56: {  	v61 =	vld [tilespmem:$0x2010];
	[tilespmem:$0x1FE60] =	vst v6;
	v6 =	vperm.xlane v7, v3;
	v44 =	vperm.xlane v23, v43;
	vm0 =	vgt.s32 v23, $0x7FF  }
0x57: {  	v4 =	vmctz.xlane vm0;
	v26, _, _ =	vpop (xrf0)  }
0x58: {  	v12 =	vperm.xlane v21, v3;
	[tilespmem:$0x1FEA0] =	vst v7;
	(xrf0) =	vadd.scan.msk.s32 $0xffff, v6;
	v7 =	vadd.s32 v44, v26  }
0x59: {  	v8 =	vperm.xlane v26, v43;
	vm0 =	vlt.s32 v4, $0xF;
	vm1 =	vgt.s32 v7, $0x7FF  }
0x5a: {  	v7 =	vperm.xlane v9, v3;
	v29 =	vnsel vm0, $0xF, v4;
	v4 =	vmctz.xlane vm1  }
0x5b: {  	v10 =	vld [tilespmem:$0x20A0];
	v25 =	vperm.xlane v61, v3;
	v27, _, _ =	vpop (xrf0);
	v56 =	vadd.s32 v44, v8;
	v6 =	vsub.s32 $0xF, v29  }
0x5c: {  	v8 =	vadd.s32 v56, v27;
	(xrf0) =	vadd.scan.msk.s32 $0xffff, v7;
	v7 =	vsub.s32 $0x1F, v29;
	vm1 =	vlt.s32 v4, $0xF  }
0x5d: {  	v11 =	vld [tilespmem:$0x2090];
	vm4 =	vlt.s32 v56, $0x800;
	vm0 =	vlt.s32 v6, $0x0;
	v32 =	vnsel vm1, $0xF, v4  }
0x5e: {  	v30, _, _ =	vpop (xrf0);
	v4 =	vperm.xlane v27, v43;
	vm1 =	vgt.s32 v8, $0x7FF;
	v6 =	vsel vm0, v7, v6  }
0x5f: {  	[tilespmem:$0x1FEE0] =	vst v9;
	v7 =	vperm.xlane v30, v43;
	v8 =	vsub.s32 $0xF, v32;
	v9 =	vmctz.xlane vm1  }
0x60: {  	[tilespmem:$0x1FDC0] =	vst v6;
	v6 =	vperm.xlane v10, v3;
	vm0 =	vlt.s32 v8, $0x0;
	v59 =	vadd.s32 v56, v4  }
0x61: {  	vm1 =	vlt.s32 v9, $0xF;
	v4 =	vadd.s32 v59, v30;
	v45 =	vadd.s32 v59, v7  }
0x62: {  	(xrf0) =	vadd.scan.msk.s32 $0xffff, v6;
	v6 =	vperm.xlane v11, v3;
	vm5 =	vgt.s32 v59, $0x7FF;
	v36 =	vnsel vm1, $0xF, v9  }
0x63: {  	[tilespmem:$0x1FF20] =	vst v10;
	vm1 =	vgt.s32 v4, $0x7FF;
	v4 =	vsub.s32 $0x1F, v32;
	vm8 =	vmand vm4, vm5  }
0x64: {  	[tilespmem:$0x1FF50] =	vst v11;
	vm4 =	vlt.s32 v45, $0x800;
	v9 =	vsub.s32 $0xF, v36;
	v10 =	vmctz.xlane vm1  }
0x65: {  	v34, _, _ =	vpop (xrf0);
	v7 =	vsub.s32 $0x1F, v36;
	(xrf0) =	vadd.scan.msk.s32 $0xffff, v6;
	v4 =	vsel vm0, v4, v8;
	vm1 =	vlt.s32 v9, $0x0  }
0x66: {  	v11 =	vadd.s32 v45, v34;
	[tilespmem:$0x1FE30] =	vst v4;
	vm2 =	vlt.s32 v10, $0xF;
	v4 =	vsel vm1, v7, v9  }
0x67: {  	v13 =	vld [tilespmem:$0x2070];
	v38 =	vnsel vm2, $0xF, v10;
	v10 =	vperm.xlane v34, v43;
	vm2 =	vgt.s32 v11, $0x7FF  }
0x68: {  	[tilespmem:$0x1FE70] =	vst v4;
	v6 =	vsub.s32 $0xF, v38;
	v11 =	vmctz.xlane vm2;
	v4 =	vsub.s32 $0x1F, v38;
	v39, _, _ =	vpop (xrf0)  }
0x69: {  	vm0 =	vlt.s32 v6, $0x0;
	v51 =	vadd.s32 v45, v10;
	v7 =	vperm.xlane v39, v43  }
0x6a: {  	vm1 =	vlt.s32 v11, $0xF;
	v8 =	vadd.s32 v51, v39;
	v4 =	vsel vm0, v4, v6  }
0x6b: {  	(xrf0) =	vadd.scan.msk.s32 $0xffff, v12;
	v10 =	vld [tilespmem:$0x2060];
	v40, _, _ =	vpop (xrf0);
	vm5 =	vgt.s32 v51, $0x7FF;
	v41 =	vnsel vm1, $0xF, v11;
	vm0 =	vgt.s32 v8, $0x7FF  }
0x6c: {  	v11 =	vadd.s32 v51, v7;
	v7 =	vperm.xlane v13, v3;
	v8 =	vperm.xlane v40, v43  }
0x6d: {  	[tilespmem:$0x1FEB0] =	vst v4;
	vm9 =	vmand vm4, vm5;
	v4 =	vsub.s32 $0xF, v41;
	v6 =	vmctz.xlane vm0  }
0x6e: {  	[tilespmem:$0x1FFA0] =	vst v13;
	v9 =	vadd.s32 v11, v40;
	v13 =	vsub.s32 $0x1F, v41;
	vm4 =	vlt.s32 v11, $0x800  }
0x6f: {  	vm0 =	vlt.s32 v4, $0x0;
	vm2 =	vgt.s32 v9, $0x7FF;
	(xrf0) =	vadd.scan.msk.s32 $0xffff, v7;
	v12 =	vadd.s32 v11, v8  }
0x70: {  	[tilespmem:$0x1FFC0] =	vst v10;
	vm1 =	vlt.s32 v6, $0xF;
	v8 =	vperm.xlane v10, v3;
	v4 =	vsel vm0, v13, v4  }
0x71: {  	v60 =	vld [tilespmem:$0x2050];
	v7 =	vmctz.xlane vm2;
	v47, _, _ =	vpop (xrf0);
	vm5 =	vgt.s32 v12, $0x7FF;
	[tilespmem:$0x1FEF0] =	vst v4;
	v50 =	vnsel vm1, $0xF, v6  }
0x72: {  	v10 =	vld [tilespmem:$0x2030];
	v4 =	vadd.s32 v12, v47;
	v9 =	vperm.xlane v47, v43;
	v6 =	vsub.s32 $0xF, v50;
	(xrf0) =	vadd.scan.msk.s32 $0xffff, v8  }
0x73: {  	vm0 =	vlt.s32 v7, $0xF;
	vm1 =	vgt.s32 v4, $0x7FF;
	vm2 =	vlt.s32 v6, $0x0  }
0x74: {  	v35 =	vld [tilespmem:$0x2040];
	v53 =	vnsel vm0, $0xF, v7;
	v4 =	vmctz.xlane vm1;
	v7 =	vsub.s32 $0x1F, v50  }
0x75: {  	v13 =	vadd.s32 v12, v9;
	v8 =	vsub.s32 $0xF, v53;
	v6 =	vsel vm2, v7, v6;
	v54, _, _ =	vpop (xrf0)  }
0x76: {  	v7 =	vperm.xlane v60, v3;
	v9 =	vsub.s32 $0x1F, v53;
	[tilespmem:$0x1FF30] =	vst v6;
	v6 =	vperm.xlane v54, v43  }
0x77: {  	vm0 =	vlt.s32 v8, $0x0;
	vm1 =	vlt.s32 v4, $0xF;
	v15 =	vperm.xlane v10, v3  }
0x78: {  	v55 =	vld [tilespmem:$0x2020];
	v58 =	vnsel vm1, $0xF, v4;
	v4 =	vadd.s32 v13, v54;
	v14 =	vadd.s32 v13, v6;
	v57, _, _ =	vpop (xrf0)  }
0x79: {  	(xrf0) =	vadd.scan.msk.s32 $0xffff, v7;
	vm1 =	vgt.s32 v4, $0x7FF;
	v4 =	vperm.xlane v35, v3;
	v7 =	vadd.s32 v14, v57  }
0x7a: {  	v8 =	vsel vm0, v9, v8;
	v6 =	vmctz.xlane vm1;
	vm0 =	vgt.s32 v7, $0x7FF  }
0x7b: {  	[tilespmem:$0x1FF60] =	vst v8;
	v8 =	vsub.s32 $0xF, v58;
	(xrf0) =	vadd.scan.msk.s32 $0xffff, v4;
	v4 =	vmctz.xlane vm0  }
0x7c: {  	vm1 =	vlt.s32 v8, $0x0;
	vm2 =	vlt.s32 v6, $0xF;
	v7 =	vsub.s32 $0x1F, v58  }
0x7d: {  	(xrf0) =	vadd.scan.msk.s32 $0xffff, v15;
	v62 =	vnsel vm2, $0xF, v6;
	v6 =	vperm.xlane v55, v3;
	v7 =	vsel vm1, v7, v8  }
0x7e: {  	v8 =	vperm.xlane v57, v43;
	[tilespmem:$0x1FF80] =	vst v7;
	v7 =	vsub.s32 $0xF, v62;
	vm0 =	vlt.s32 v4, $0xF  }
0x7f: {  	vm1 =	vlt.s32 v7, $0x0;
	v46 =	vnsel vm0, $0xF, v4;
	v4, _, _ =	vpop (xrf0);
	(xrf0) =	vadd.scan.msk.s32 $0xffff, v6;
	v6 =	vsub.s32 $0x1F, v62  }
0x80: {  	v9 =	vsub.s32 $0xF, v46;
	v16 =	vperm.xlane v4, v43;
	v6 =	vsel vm1, v6, v7  }
0x81: {  	v15 =	vadd.s32 v14, v8;
	vm0 =	vlt.s32 v9, $0x0;
	v37, _, _ =	vpop (xrf0);
	v7 =	vsub.s32 $0x1F, v46  }
0x82: {  	v17 =	vadd.s32 v15, v4;
	v8 =	vperm.xlane v37, v43;
	v16 =	vadd.s32 v15, v16  }
0x83: {  	v63 =	vld [tilespmem:$0x2000];
	[tilespmem:$0x1FFB0] =	vst v6;
	vm1 =	vgt.s32 v17, $0x7FF;
	v22 =	vsel vm0, v7, v9;
	v6, _, _ =	vpop (xrf0);
	v18 =	vadd.s32 v16, v37  }
0x84: {  	v19 =	vperm.xlane v6, v43;
	vm2 =	vgt.s32 v18, $0x7FF;
	v18 =	vadd.s32 v16, v8  }
0x85: {  	(xrf0) =	vadd.scan.msk.s32 $0xffff, v25;
	vm6 =	vlt.s32 v16, $0x800;
	v8 =	vmctz.xlane vm1;
	v20 =	vadd.s32 v18, v6  }
0x86: {  	v48, _, _ =	vpop (xrf0);
	vm7 =	vgt.s32 v18, $0x7FF;
	v17 =	vadd.s32 v18, v19;
	v19 =	vmctz.xlane vm2  }
0x87: {  	vm0 =	vgt.s32 v20, $0x7FF;
	vm2 =	vlt.s32 v8, $0xF;
	v24 =	vadd.s32 v17, v48  }
0x88: {  	v7 =	vmctz.xlane vm0;
	v31 =	vnsel vm2, $0xF, v8;
	v8 =	vperm.xlane v63, v3  }
0x89: {  	vm1 =	vgt.s32 v24, $0x7FF;
	vm3 =	vlt.s32 v19, $0xF;
	v9 =	vsub.s32 $0xF, v31  }
0x8a: {  	v49 =	vnsel vm3, $0xF, v19;
	vm0 =	vlt.s32 v7, $0xF;
	vm2 =	vlt.s32 v9, $0x0  }
0x8b: {  	v20 =	vmctz.xlane vm1;
	v25, _, _ =	vpop (xrf0);
	v19 =	vsub.s32 $0xF, v49;
	v28 =	vnsel vm0, $0xF, v7  }
0x8c: {  	(xrf0) =	vadd.scan.msk.s32 $0xffff, v8;
	v7 =	vsub.s32 $0x1F, v31;
	v8 =	vsub.s32 $0x1F, v49;
	v52 =	vperm.xlane v25, v43  }
0x8d: {  	vm3 =	vlt.s32 v19, $0x0;
	v7 =	vsel vm2, v7, v9;
	vm1 =	vlt.s32 v20, $0xF  }
0x8e: {  	v9 =	vperm.xlane v48, v43;
	vm2 =	vlt.s32 v44, $0x800;
	v33 =	vsel vm3, v8, v19  }
0x8f: {  	v8 =	vsub.s32 $0xF, v28;
	v24 =	vnsel vm1, $0xF, v20;
	v19 =	vsub.s32 $0x1F, v28  }
0x90: {  	vm3 =	vgt.s32 v56, $0x7FF;
	vm0 =	vlt.s32 v8, $0x0;
	v20 =	vadd.s32 v17, v9  }
0x91: {  	v9 =	vsub.s32 $0xF, v24;
	v42 =	vsub.s32 $0x1F, v24;
	vm13 =	vmand vm2, vm3  }
0x92: {  	vm2 =	vlt.s32 v59, $0x800;
	vm3 =	vgt.s32 v45, $0x7FF;
	v8 =	vsel vm0, v19, v8  }
0x93: {  	vm0 =	vlt.s32 v9, $0x0;
	v19 =	vadd.s32 v20, v52;
	vm12 =	vmand vm2, vm3  }
0x94: {  	vm2 =	vlt.s32 v51, $0x800;
	vm3 =	vgt.s32 v11, $0x7FF;
	v52, _, _ =	vpop (xrf0);
	v9 =	vsel vm0, v42, v9  }
0x95: {  	[tilespmem:$0x1FFD0] =	vst v10;
	v42 =	vadd.s32 v20, v25;
	vm2 =	vmand vm2, vm3;
	v10 =	vadd.s32 v19, v52  }
0x96: {  	vm3 =	vgt.s32 v13, $0x7FF;
	vm0 =	vgt.s32 v10, $0x7FF;
	v10 =	vimm.s32 $0x0  }
0x97: {  	vm1 =	vgt.s32 v42, $0x7FF;
	v43 =	vperm.xlane v52, v43;
	v10 =	vsel vm2, $0xFFFFFFFF, v10  }
0x98: {  	[tilespmem:$0x1FD30] =	vst v51;
	vm2 =	vmand vm4, vm5;
	vm4 =	vlt.s32 v13, $0x800;
	vm5 =	vgt.s32 v14, $0x7FF  }
0x99: {  	v51 =	vmovc v11;
	v11 =	vmctz.xlane vm0;
	v43 =	vadd.s32 v19, v43;
	[tilespmem:$0x1FE10] =	vst v10;
	v10 =	vimm.s32 $0x0  }
0x9a: {  	vm10 =	vmand vm4, vm5;
	vm4 =	vlt.s32 v15, $0x800;
	v10 =	vsel vm2, $0xFFFFFFFF, v10  }
0x9b: {  	vm5 =	vgt.s32 v16, $0x7FF;
	vm2 =	vlt.s32 v12, $0x800;
	[tilespmem:$0x1FE00] =	vst v10;
	v10 =	vmctz.xlane vm1  }
0x9c: {  	vm14 =	vmand vm2, vm3;
	vm2 =	vlt.s32 v14, $0x800;
	vm3 =	vgt.s32 v15, $0x7FF  }
0x9d: {  	vm11 =	vmand vm4, vm5;
	vm15 =	vmand vm2, vm3;
	vm3 =	vlt.s32 v10, $0xF  }
0x9e: {  	vm1 =	vlt.s32 v18, $0x800;
	vm2 =	vgt.s32 v17, $0x7FF;
	v42 =	vnsel vm3, $0xF, v10  }
0x9f: {  	vm5 =	vmand vm6, vm7;
	vm6 =	vmand vm1, vm2;
	v10 =	vsub.s32 $0xF, v42  }
0xa0: {  	[tilespmem:$0x1FD00] =	vst v56;
	vm1 =	vlt.s32 v11, $0xF;
	v56 =	vsub.s32 $0x1F, v42;
	vm0 =	vlt.s32 v10, $0x0  }
0xa1: {  	[tilespmem:$0x1FD60] =	vst v44;
	vm2 =	vgt.s32 v43, $0x7FF;
	v43 =	vsel vm0, v56, v10;
	v10 =	vnsel vm1, $0xF, v11  }
0xa2: {  	[tilespmem:$0x1FD20] =	vst v45;
	vm0 =	vlt.s32 v20, $0x800;
	vm1 =	vgt.s32 v19, $0x7FF;
	v11 =	vsub.s32 $0xF, v10  }
0xa3: {  	[tilespmem:$0x1FD40] =	vst v12;
	vm1 =	vmand vm0, vm1;
	v45 =	vsub.s32 $0x1F, v10;
	vm0 =	vlt.s32 v11, $0x0  }
0xa4: {  	[tilespmem:$0x1FD50] =	vst v13;
	v13 =	vimm.s32 $0x0;
	v12 =	vsel vm0, v45, v11;
	vm0 =	vgt.s32 v44, $0x7FF  }
0xa5: {  	[tilespmem:$0x1FD10] =	vst v59;
	v44 =	vsub.s32 $0xFF, v29;
	v13 =	vsel vm0, $0xFFFFFFFF, v13  }
0xa6: {  	v23 =	vperm.xlane v23, v29;
	v29 =	vld [tilespmem:$0x1FDB0];
	v59 =	vnsel vm0, $0x0, v44;
	[tilespmem:$0x1FD70] =	vst v13;
	v13 =	vsub.s32 $0xEF, v32  }
0xa7: {  	v13 =	vsel vm13, v13, v59;
	v59 =	vld [tilespmem:$0x1FDC0];
	_ =	sdelay $0x1  }
0xa8: {  	v26 =	vperm.xlane v26, v32;
	_ =	sdelay $0x1  }
0xa9: {  	[tilespmem:$0x1FDE0] =	vst v26;
	v26 =	vimm.s32 $0x0  }
0xaa: {  	v26 =	vsel vm9, $0xFFFFFFFF, v26;
	v29 =	vperm.xlane v29, v59  }
0xab: {  	[tilespmem:$0x1FDF0] =	vst v26;
	v26 =	vld [tilespmem:$0x1FE20]  }
0xac: {  	[tilespmem:$0x1FDD0] =	vst v29;
	v29 =	vld [tilespmem:$0x1FE30];
	_ =	sdelay $0x4  }
0xad: {  	v26 =	vperm.xlane v26, v29  }
0xae: {  	[tilespmem:$0x1FD90] =	vst v23;
	v23 =	vimm.s32 $0x0  }
0xaf: {  	v23 =	vsel vm8, $0xFFFFFFFF, v23;
	[tilespmem:$0x1FE40] =	vst v26;
	v26 =	vperm.xlane v27, v36  }
0xb0: {  	[tilespmem:$0x1FDA0] =	vst v23;
	v45 =	vsub.s32 $0xDF, v36;
	v27 =	vld [tilespmem:$0x1FE70]  }
0xb1: {  	v23 =	vsub.s32 $0xCF, v38;
	v13 =	vsel vm8, v45, v13;
	[tilespmem:$0x1FE50] =	vst v26;
	v26 =	vld [tilespmem:$0x1FE60]  }
0xb2: {  	v13 =	vsel vm12, v23, v13;
	v23 =	vsub.s32 $0xBF, v41  }
0xb3: {  	v13 =	vsel vm9, v23, v13;
	v23 =	vld [tilespmem:$0x1FE00];
	_ =	sdelay $0x2  }
0xb4: {  	v26 =	vperm.xlane v26, v27;
	_ =	sdelay $0x1  }
0xb5: {  	vm9 =	vnez.u8 v23;
	v23 =	vld [tilespmem:$0x1FE10];
	[tilespmem:$0x1FE80] =	vst v26;
	v26 =	vperm.xlane v30, v38  }
0xb6: {  	v27 =	vld [tilespmem:$0x1FEB0]  }
0xb7: {  	[tilespmem:$0x1FE90] =	vst v26;
	v26 =	vld [tilespmem:$0x1FEA0];
	_ =	sdelay $0x2  }
0xb8: {  	v44 =	vimm.s32 $0x0  }
0xb9: {  	v44 =	vsel vm13, $0xFFFFFFFF, v44;
	vm13 =	vmmov vm12  }
0xba: {  	vm12 =	vnez.u8 v23;
	v23 =	vsub.s32 $0xAF, v50;
	v26 =	vperm.xlane v26, v27  }
0xbb: {  	v13 =	vsel vm12, v23, v13;
	v23 =	vsub.s32 $0x9F, v53  }
0xbc: {  	v13 =	vsel vm9, v23, v13;
	v23 =	vsub.s32 $0x8F, v58;
	[tilespmem:$0x1FEC0] =	vst v26;
	v26 =	vperm.xlane v34, v41  }
0xbd: {  	v13 =	vsel vm14, v23, v13;
	v23 =	vsub.s32 $0x7F, v62;
	v27 =	vld [tilespmem:$0x1FEF0]  }
0xbe: {  	v13 =	vsel vm10, v23, v13;
	v23 =	vsub.s32 $0x6F, v46;
	[tilespmem:$0x1FED0] =	vst v26;
	v26 =	vld [tilespmem:$0x1FEE0]  }
0xbf: {  	v13 =	vsel vm15, v23, v13;
	v23 =	vsub.s32 $0x5F, v31  }
0xc0: {  	v13 =	vsel vm11, v23, v13;
	v23 =	vsub.s32 $0x4F, v49  }
0xc1: {  	v13 =	vsel vm5, v23, v13;
	v23 =	vsub.s32 $0x3F, v28  }
0xc2: {  	v13 =	vsel vm6, v23, v13;
	v23 =	vld [tilespmem:$0x1FF20]  }
0xc3: {  	v34 =	vperm.xlane v26, v27;
	v26 =	vimm.s32 $0x0;
	v27 =	vld [tilespmem:$0x1FF30]  }
0xc4: {  	s31 =	simm.s32 $0x1040;
	[tilespmem:$0x1FD80] =	vst v44;
	v26 =	vsel vm5, $0xFFFFFFFF, v26  }
0xc5: {  	v30 =	vld [tilespmem:s31+$0xFFFFFFC0];
	[tilespmem:$0x1FF00] =	vst v26;
	v26 =	vimm.s32 $0x0  }
0xc6: {  	vm4 =	vlt.s32 v17, $0x800;
	vm3 =	vgt.s32 v20, $0x7FF;
	v26 =	vsel vm6, $0xFFFFFFFF, v26  }
0xc7: {  	vm3 =	vmand vm4, vm3;
	[tilespmem:$0x1FF10] =	vst v26  }
0xc8: {  	v26 =	vsub.s32 $0x2F, v24;
	v59 =	vld [tilespmem:s31+$0xFFFFFFE0];
	v23 =	vperm.xlane v23, v27;
	v27 =	vimm.s32 $0x0  }
0xc9: {  	v13 =	vsel vm3, v26, v13;
	v26 =	vld [tilespmem:$0x1FF50];
	v27 =	vsel vm3, $0xFFFFFFFF, v27  }
0xca: {  	[tilespmem:$0x1FF40] =	vst v27;
	v27 =	vld [tilespmem:$0x1FF60];
	_ =	sdelay $0x4  }
0xcb: {  	v36 =	vperm.xlane v39, v50;
	v39 =	vperm.xlane v26, v27;
	v26 =	vimm.s32 $0x0  }
0xcc: {  	v26 =	vsel vm1, $0xFFFFFFFF, v26  }
0xcd: {  	[tilespmem:$0x1FF70] =	vst v26;
	v26 =	vld [tilespmem:$0x1FF80];
	_ =	sdelay $0x2  }
0xce: {  	vm0 =	vlt.s32 v19, $0x800  }
0xcf: {  	vm0 =	vmand vm0, vm2;
	v38 =	vperm.xlane v40, v53  }
0xd0: {  	v40 =	vperm.xlane v47, v58;
	v58 =	vld [tilespmem:s31+$0x0];
	v41 =	vperm.xlane v21, v26;
	v21 =	vimm.s32 $0x0  }
0xd1: {  	v13 =	vsel vm1, v56, v13;
	v26 =	vld [tilespmem:$0x1FFB0];
	v21 =	vsel vm0, $0xFFFFFFFF, v21  }
0xd2: {  	[tilespmem:$0x1FF90] =	vst v21;
	v21 =	vsel vm0, v11, v13;
	v13 =	vld [tilespmem:$0x1FFA0];
	_ =	sdelay $0x2  }
0xd3: {  	v11 =	vshrl.u32 v30, $0x18  }
0xd4: {  	vm3 =	veq.s32 v11, v21  }
0xd5: {  	v11 =	vld [tilespmem:$0x1FFC0];
	v27 =	vperm.xlane v13, v26;
	v26 =	vsel vm3, $0x1, v1  }
0xd6: {  	(xrf0) =	vadd.scan.msk.s32 $0xffff, v26  }
0xd7: {  	v31 =	vperm.xlane v4, v31;
	v4 =	vshrl.u32 v58, $0x18;
	v13 =	vshrl.u32 v59, $0x18  }
0xd8: {  	vm2 =	veq.s32 v4, v21;
	v4 =	vperm.xlane v6, v28;
	v6 =	vld [tilespmem:$0x1FFD0];
	vm6 =	veq.s32 v13, v21  }
0xd9: {  	v50 =	vperm.xlane v60, v7;
	v7 =	vsel vm6, $0x1, v1  }
0xda: {  	v11 =	vperm.xlane v11, v22;
	v22 =	vld [tilespmem:s31+$0xFFFFFFD0];
	(xrf0) =	vadd.scan.msk.s32 $0xffff, v7  }
0xdb: {  	v53 =	vperm.xlane v48, v24;
	v24 =	vperm.xlane v61, v43  }
0xdc: {  	v60 =	vld [tilespmem:s31+$0xFFFFFFF0];
	v13 =	vperm.xlane v55, v9;
	v9 =	vperm.xlane v25, v42;
	v25, _, _ =	vpop (xrf0)  }
0xdd: {  	v56 =	vperm.xlane v6, v8;
	v6 =	vsel vm2, $0x1, v1;
	[tilespmem:$0x1FFF0] =	vst v24;
	v25 =	vsub.s32 v25, v26  }
0xde: {  	v45 =	vperm.xlane v35, v33;
	v46 =	vperm.xlane v57, v46;
	[tilespmem:$0x1FFE0] =	vst v9;
	(xrf0) =	vadd.scan.msk.s32 $0xffff, v6  }
0xdf: {  	v47 =	vperm.xlane v54, v62;
	v8 =	vimm.s32 $0x0;
	v61 =	vld [tilespmem:s31+$0x30];
	v9 =	vshrl.u32 v22, $0x18  }
0xe0: {  	v28 =	vmpcnt.ones.xlane vm3;
	vm0 =	veq.s32 v9, v21;
	v33 =	vadd.s32 v8, v25;
	v25, _, _ =	vpop (xrf0)  }
0xe1: {  	v9 =	vshrl.u32 v60, $0x18;
	v26 =	vmpcnt.ones.xlane vm0;
	v7 =	vsub.s32 v25, v7  }
0xe2: {  	v62 =	vadd.s32 v8, v28;
	v57 =	vld [tilespmem:s31+$0x10];
	vm5 =	veq.s32 v9, v21;
	v8 =	vmpcnt.ones.xlane vm6  }
0xe3: {  	v44 =	vperm.xlane v63, v12;
	v48 =	vsel vm5, $0x1, v1;
	v9 =	vadd.s32 v62, v26  }
0xe4: {  	v26 =	vadd.s32 v9, v8;
	v8 =	vshrl.u32 v61, $0x18;
	v63 =	vadd.s32 v9, v7;
	v7, _, _ =	vpop (xrf0)  }
0xe5: {  	v35 =	vld [tilespmem:s31+$0x20];
	(xrf0) =	vadd.scan.msk.s32 $0xffff, v48;
	vm7 =	veq.s32 v8, v21;
	v29 =	vsub.s32 v7, v6;
	v7 =	vmpcnt.ones.xlane vm5  }
0xe6: {  	v54 =	vperm.xlane v37, v49;
	v37 =	vperm.xlane v52, v10;
	v52 =	vsel vm7, $0x1, v1;
	[tilespmem:v33+s10+$0x0] =	vst.idx.msk vm3, v30  }
0xe7: {  	(xrf0) =	vadd.scan.msk.s32 $0xffff, v52;
	v6 =	vshrl.u32 v57, $0x18;
	v30 =	vadd.s32 v26, v7;
	v7 =	vsel vm0, $0x1, v1  }
0xe8: {  	v8 =	vmpcnt.ones.xlane vm2;
	vm4 =	veq.s32 v6, v21;
	(xrf0) =	vadd.scan.msk.s32 $0xffff, v7  }
0xe9: {  	v6 =	vmpcnt.ones.xlane vm4  }
0xea: {  	s14 =	simm.s32 $0x20;
	s18 =	simm.s32 $0x0;
	s15 =	simm.s32 $0x0;
	v9 =	vsel vm4, $0x1, v1;
	v28 =	vadd.s32 v30, v8;
	v8 =	vshrl.u32 v35, $0x18  }
0xeb: {  	s16 =	simm.s32 $0xF0;
	s17 =	simm.s32 $0x10C0;
	s13 =	simm.s32 $0x70;
	v49 =	vor.u32 s18, v0;
	v25, _, _ =	vpop (xrf0);
	v6 =	vadd.s32 v28, v6;
	(xrf0) =	vadd.scan.msk.s32 $0xffff, v9;
	vm1 =	veq.s32 v8, v21  }
.LBB2_5:
0xec: {  	v8 =	vld [tilespmem:s17+$0xFFFFFFC0];
	s18 =	sadd.s32 $0xFFFFFFB0, s16;
	s15 =	sadd.s32 $0x8, s15;
	v10 =	vsub.s32 v25, v48;
	v12 =	vadd.s32 v30, v29;
	v25 =	vmpcnt.ones.xlane vm1  }
0xed: {  	v30 =	vor.u32 s14, v0;
	v29 =	vld [tilespmem:s17+$0x0];
	p0 =	slt.u32 s15, $0xF8;
	[tilespmem:v63+s10+$0x0] =	vst.idx.msk vm6, v59;
	v10 =	vadd.s32 v26, v10;
	v26 =	vmpcnt.ones.xlane vm7;
	v42, _, _ =	vpop (xrf0);
	s14 =	smov.u32 s18  }
0xee: {  	v59 =	vld [tilespmem:s17+$0xFFFFFFE0];
	[tilespmem:v63+s11+$0x0] =	vst.idx.msk vm6, v30;
	v30 =	vsel vm1, $0x1, v1;
	v25 =	vadd.s32 v6, v25;
	v42 =	vsub.s32 v42, v52;
	v43, _, _ =	vpop (xrf0)  }
0xef: {  	s18 =	sadd.s32 $0xFFFFFFF0, s13;
	v48 =	vld [tilespmem:s17+$0x30];
	v7 =	vsub.s32 v43, v7;
	v42 =	vadd.s32 v25, v42;
	v25 =	vadd.s32 v25, v26;
	(xrf0) =	vadd.scan.msk.s32 $0xffff, v30  }
0xf0: {  	s19 =	sadd.s32 $0xFFFFFFC0, s13;
	s20 =	sadd.s32 $0xFFFFFFE0, s13;
	v43 =	vor.u32 s18, v0;
	v26 =	vld [tilespmem:s17+$0x20];
	[tilespmem:v33+s11+$0x0] =	vst.idx.msk vm3, v49;
	v7 =	vadd.s32 v62, v7  }
0xf1: {  	v55 =	vor.u32 s20, v0;
	v52 =	vor.u32 s19, v0;
	s18 =	sadd.s32 $0xFFFFFFD0, s13;
	v33 =	vshrl.u32 v8, $0x18;
	v49 =	vld [tilespmem:s17+$0x10];
	[tilespmem:v12+s10+$0x0] =	vst.idx.msk vm2, v58;
	v58, _, _ =	vpop (xrf0)  }
0xf2: {  	v32 =	vor.u32 s18, v0;
	v63 =	vld [tilespmem:s17+$0xFFFFFFD0];
	v62 =	vshrl.u32 v29, $0x18;
	[tilespmem:v10+s10+$0x0] =	vst.idx.msk vm5, v60;
	v9 =	vsub.s32 v58, v9;
	v58 =	vmovc v29  }
0xf3: {  	vm3 =	veq.s32 v33, v21;
	v24 =	vshrl.u32 v59, $0x18;
	v60 =	vld [tilespmem:s17+$0xFFFFFFF0];
	[tilespmem:v12+s11+$0x0] =	vst.idx.msk vm2, v32;
	v9 =	vadd.s32 v28, v9  }
0xf4: {  	v12 =	vsel vm3, $0x1, v1;
	v32 =	vor.u32 s13, v0;
	v28 =	vshrl.u32 v48, $0x18;
	[tilespmem:v42+s10+$0x0] =	vst.idx.msk vm7, v61;
	v61 =	vmovc v48  }
0xf5: {  	vm2 =	veq.s32 v62, v21;
	vm6 =	veq.s32 v24, v21;
	(xrf0) =	vadd.scan.msk.s32 $0xffff, v12;
	[tilespmem:v42+s11+$0x0] =	vst.idx.msk vm7, v32;
	v29, _, _ =	vpop (xrf0)  }
0xf6: {  	v32 =	vmpcnt.ones.xlane vm3;
	v42 =	vsel vm6, $0x1, v1;
	[tilespmem:v10+s11+$0x0] =	vst.idx.msk vm5, v52;
	v10 =	vsub.s32 v29, v30  }
0xf7: {  	v29 =	vsel vm2, $0x1, v1;
	v30 =	vshrl.u32 v49, $0x18;
	(xrf0) =	vadd.scan.msk.s32 $0xffff, v42;
	v6 =	vadd.s32 v6, v10  }
0xf8: {  	v62 =	vadd.s32 v25, v32;
	v10 =	vshrl.u32 v63, $0x18;
	v32 =	vshrl.u32 v60, $0x18;
	[tilespmem:v9+s10+$0x0] =	vst.idx.msk vm4, v57;
	v57 =	vmovc v49  }
0xf9: {  	s19 =	sadd.s32 $0xFFFFFFA0, s13;
	s18 =	sadd.s32 $0xFFFFFF90, s16;
	s13 =	smov.u32 s16;
	v24 =	vmpcnt.ones.xlane vm6;
	vm5 =	veq.s32 v32, v21;
	(xrf0) =	vadd.scan.msk.s32 $0xffff, v29;
	[tilespmem:v9+s11+$0x0] =	vst.idx.msk vm4, v55  }
0xfa: {  	v49 =	vor.u32 s18, v0;
	v9 =	vor.u32 s19, v0;
	v48 =	vsel vm5, $0x1, v1;
	[tilespmem:v7+s10+$0x0] =	vst.idx.msk vm0, v22;
	v22 =	vmovc v63  }
0xfb: {  	vm7 =	veq.s32 v28, v21;
	v28, _, _ =	vpop (xrf0);
	(xrf0) =	vadd.scan.msk.s32 $0xffff, v48;
	[tilespmem:v7+s11+$0x0] =	vst.idx.msk vm0, v9;
	vm0 =	veq.s32 v10, v21  }
0xfc: {  	v52 =	vsel vm7, $0x1, v1;
	v7 =	vsub.s32 v28, v12;
	v9 =	vmpcnt.ones.xlane vm0;
	[tilespmem:v6+s10+$0x0] =	vst.idx.msk vm1, v35;
	v35 =	vmovc v26  }
0xfd: {  	v10 =	vmpcnt.ones.xlane vm2;
	v33 =	vadd.s32 v25, v7;
	v7 =	vsel vm0, $0x1, v1;
	v12, _, _ =	vpop (xrf0);
	[tilespmem:v6+s11+$0x0] =	vst.idx.msk vm1, v43  }
.Ltmp2:
0xfe: {  	v25 =	vadd.s32 v62, v9;
	v9 =	vsub.s32 v12, v42;
	v12 =	vmpcnt.ones.xlane vm5;
	(xrf0) =	vadd.scan.msk.s32 $0xffff, v52;
	(pc) =	sbr.rel @p0 .LBB2_5-.Ltmp2, $4  }
0xff: {  	vm4 =	veq.s32 v30, v21;
	v63 =	vadd.s32 v25, v9;
	v26 =	vadd.s32 v25, v24;
	(xrf0) =	vadd.scan.msk.s32 $0xffff, v7;
	v6, _, _ =	vpop (xrf0)  }
0x100: {  	v30 =	vadd.s32 v26, v12;
	v29 =	vsub.s32 v6, v29;
	v6 =	vmpcnt.ones.xlane vm4  }
0x101: {  	v9 =	vsel vm4, $0x1, v1;
	v28 =	vadd.s32 v30, v10;
	v10 =	vshrl.u32 v35, $0x18;
	v25, _, _ =	vpop (xrf0)  }
0x102: {  	s16 =	sadd.s32 $0x80, s16;
	s17 =	sadd.s32 $0x80, s17;
	[tilespmem:v33+s10+$0x0] =	vst.idx.msk vm3, v8;
	v6 =	vadd.s32 v28, v6;
	vm1 =	veq.s32 v10, v21;
	(xrf0) =	vadd.scan.msk.s32 $0xffff, v9  }
0x103: {  	_ =	sdelay $0x3  }
0x104: {  	v8 =	vmpcnt.ones.xlane vm1;
	v43 =	vadd.s32 v30, v29  }
0x105: {  	v10 =	vmpcnt.ones.xlane vm7;
	[tilespmem:v63+s10+$0x0] =	vst.idx.msk vm6, v59;
	v25 =	vsub.s32 v25, v48;
	v24, _, _ =	vpop (xrf0)  }
0x106: {  	v25 =	vadd.s32 v26, v25;
	v8 =	vadd.s32 v6, v8;
	v24 =	vsub.s32 v24, v52  }
0x107: {  	[tilespmem:v33+s11+$0x0] =	vst.idx.msk vm3, v49;
	v52 =	vor.u32 s14, v0;
	v55 =	vadd.s32 v8, v10;
	v8 =	vadd.s32 v8, v24  }
0x108: {  	s25 =	sadd.s32 $0xFFFFFFD0, s13;
	[tilespmem:v63+s11+$0x0] =	vst.idx.msk vm6, v52  }
0x109: {  	[tilespmem:v43+s10+$0x0] =	vst.idx.msk vm2, v58;
	v58 =	vor.u32 s25, v0  }
0x10a: {  	[tilespmem:v43+s11+$0x0] =	vst.idx.msk vm2, v58  }
0x10b: {  	[tilespmem:v25+s10+$0x0] =	vst.idx.msk vm5, v60  }
0x10c: {  	v59 =	vor.u32 s13, v0;
	[tilespmem:v8+s10+$0x0] =	vst.idx.msk vm7, v61  }
0x10d: {  	vm8 =	vmmov $0x1;
	v10 =	vsel vm1, $0x1, v1;
	[tilespmem:v8+s11+$0x0] =	vst.idx.msk vm7, v59  }
0x10e: {  	v12 =	vnsel vm8, $0x0, v55;
	(xrf0) =	vadd.scan.msk.s32 $0xffff, v10;
	v8 =	vld [tilespmem:$0x1FD90]  }
0x10f: {  	s26 =	sadd.s32 $0xFFFFFFC0, s13;
	(xrf0) =	vadd.scan.msk.s32 $0xffff, v12;
	v12 =	vld [tilespmem:$0x1FDD0]  }
0x110: {  	v63 =	vor.u32 s26, v0;
	v61 =	vld [tilespmem:$0x1FD60]  }
0x111: {  	v30 =	vld [tilespmem:$0x1FDE0];
	[tilespmem:v25+s11+$0x0] =	vst.idx.msk vm5, v63  }
0x112: {  	v25 =	vld [tilespmem:$0x1FD70]  }
0x113: {  	v33 =	vld [tilespmem:$0x1FE40]  }
0x114: {  	v42 =	vld [tilespmem:$0x1FD00]  }
0x115: {  	v43 =	vld [tilespmem:$0x1FD80]  }
0x116: {  	v48 =	vld [tilespmem:$0x1FE80]  }
0x117: {  	v49 =	vld [tilespmem:$0x1FD10]  }
0x118: {  	v52 =	vld [tilespmem:$0x1FE90]  }
0x119: {  	v58 =	vld [tilespmem:$0x1FDA0]  }
0x11a: {  	v24, _, _ =	vpop (xrf0);
	v59 =	vld [tilespmem:$0x1FEC0]  }
0x11b: {  	v29, _, _ =	vpop (xrf0);
	v8 =	vsub.s32 v12, v8;
	v12 =	vadd.s32 v61, v30;
	v30 =	vld [tilespmem:$0x1FE50]  }
0x11c: {  	v26, _, _ =	vpop (xrf0);
	v60 =	vld [tilespmem:$0x1FD20]  }
0x11d: {  	v9 =	vsub.s32 v29, v9;
	v32, _, _ =	vpop (xrf0);
	v61 =	vld [tilespmem:$0x1FED0]  }
0x11e: {  	v9 =	vadd.s32 v28, v9;
	(v2sf) =	vpush v32, $0xF;
	v32 =	vld [tilespmem:$0x1FD30]  }
0x11f: {  	vm5 =	vnez.u8 v25;
	v12 =	vsub.s32 v33, v12;
	vm6 =	vnez.u8 v43  }
0x120: {  	vm7 =	vnez.u8 v58;
	v8 =	vnsel vm5, $0x0, v8;
	v25 =	vadd.s32 v42, v30  }
0x121: {  	v8 =	vsel vm6, v12, v8;
	v12 =	vsub.s32 v48, v25;
	v25 =	vadd.s32 v49, v52  }
0x122: {  	v33 =	vld [tilespmem:$0x1FDF0];
	v8 =	vsel vm7, v12, v8;
	v12 =	vsub.s32 v59, v25;
	v25 =	vadd.s32 v60, v61  }
0x123: {  	v63 =	vsub.s32 v34, v25;
	v25 =	vadd.s32 v32, v36;
	v36 =	vadd.s32 v51, v38  }
0x124: {  	v38 =	vsub.s32 v39, v36;
	v39 =	vld [tilespmem:$0x1FD40]  }
0x125: {  	v14 =	vadd.s32 v14, v46;
	v43 =	vld [tilespmem:$0x1FD50]  }
0x126: {  	v4 =	vadd.s32 v18, v4;
	v11 =	vsub.s32 v11, v14  }
0x127: {  	s15 =	sadd.s32 $0xFFFFFFE0, s13;
	vm8 =	vnez.u8 v33;
	v59 =	vld [tilespmem:$0x1FF10];
	v8 =	vsel vm13, v12, v8;
	v51 =	vadd.s32 v16, v54  }
0x128: {  	v60 =	vor.u32 s15, v0;
	v54 =	vld [tilespmem:$0x1FF00];
	v8 =	vsel vm8, v63, v8;
	v34 =	vsub.s32 v23, v25;
	[tilespmem:v9+s10+$0x0] =	vst.idx.msk vm4, v57  }
0x129: {  	v8 =	vsel vm12, v34, v8;
	[tilespmem:v9+s11+$0x0] =	vst.idx.msk vm4, v60;
	v23 =	vadd.s32 v39, v40  }
0x12a: {  	v8 =	vsel vm9, v38, v8;
	v42 =	vsub.s32 v41, v23;
	v23 =	vadd.s32 v43, v47  }
0x12b: {  	v7 =	vsub.s32 v24, v7;
	v9 =	vld [tilespmem:$0x1FF40];
	v8 =	vsel vm14, v42, v8;
	v48 =	vsub.s32 v27, v23  }
0x12c: {  	v7 =	vadd.s32 v62, v7;
	v49 =	vadd.s32 v15, v31;
	v8 =	vsel vm10, v48, v8  }
0x12d: {  	v4 =	vsub.s32 v56, v4;
	v8 =	vsel vm15, v11, v8;
	v11 =	vsub.s32 v50, v49  }
0x12e: {  	v52 =	vsub.s32 v45, v51;
	v8 =	vsel vm11, v11, v8;
	vm11 =	vnez.u8 v54  }
0x12f: {  	v58 =	vadd.s32 v17, v53;
	vm12 =	vnez.u8 v59;
	v8 =	vsel vm11, v52, v8  }
0x130: {  	s30 =	sadd.s32 $0xFFFFFFA0, s13;
	vm13 =	vnez.u8 v9;
	v4 =	vsel vm12, v4, v8;
	v8 =	vsub.s32 v13, v58  }
0x131: {  	v63 =	vor.u32 s30, v0;
	v4 =	vsel vm13, v8, v4;
	v8 =	vld [tilespmem:$0x1FFE0];
	[tilespmem:v7+s10+$0x0] =	vst.idx.msk vm0, v22  }
0x132: {  	v61 =	vld [tilespmem:$0x1FFF0];
	[tilespmem:v7+s11+$0x0] =	vst.idx.msk vm0, v63  }
0x133: {  	v7 =	vld [tilespmem:$0x1FF70];
	_ =	sdelay $0x3  }
0x134: {  	v8 =	vadd.s32 v20, v8  }
0x135: {  	s28 =	spop (v2sf);
	v8 =	vsub.s32 v61, v8;
	vm14 =	vnez.u8 v7  }
0x136: {  	v10 =	vsub.s32 v26, v10;
	s14 =	sadd.s32 $0xF, s28;
	v4 =	vsel vm14, v8, v4;
	v8 =	vld [tilespmem:$0x1FF90]  }
0x137: {  	v6 =	vadd.s32 v6, v10;
	s16 =	sand.u32 $0xF, s14  }
0x138: {  	s29 =	sshra.s32 s14, $0x1F;
	p0 =	slt.s32 s14, $0x1;
	p1 =	sne.s32 s16, $0x0  }
.Ltmp3:
0x139: {  	s15 =	sshrl.u32 s29, $0x1C;
	p0 =	por !p0, !p1;
	(pc) =	sbr.rel .LBB2_7-.Ltmp3, $4  }
0x13a: {  	v62 =	vadd.s32 v19, v37;
	s14 =	sadd.s32 s15, s14;
	s15 =	simm.s32 $0x1;
	p0 =	por !p0, !p0  }
0x13b: {  	s31 =	sadd.s32 $0xFFFFFFF0, s13;
	s14 =	sshra.s32 s14, $0x4;
	s15 =	simm.s32 @!p0 $0x0;
	v7 =	vsub.s32 v44, v62;
	vm15 =	vnez.u8 v8  }
0x13c: {  	s13 =	ssub.s32 s14, s15;
	[tilespmem:v6+s10+$0x0] =	vst.idx.msk vm1, v35;
	v4 =	vsel vm15, v7, v4;
	v7 =	vor.u32 s31, v0  }
0x13d: {  	s14 =	simm.s32 $0x0;
	s15 =	simm.s32 $0x0;
	p0 =	slt.s32 s13, $0x1;
	[tilespmem:v6+s11+$0x0] =	vst.idx.msk vm1, v7;
	v4 =	vadd.s32 $0x800, v4;
	v6 =	vimm.s32 $0x0;
	v7 =	vshll.u32 v21, $0x18  }
.LBB2_14:
0x13e: {  	s15 =	sadd.s32 $0x1, s15  }
0x13f: {  	p1 =	sne.s32 s15, $0x18  }
.Ltmp4:
0x140: {  	_ = 	snop;
	(pc) =	sbr.rel @!p1 .LBB2_15-.Ltmp4, $3  }
0x141: {  	_ =	sdelay $0x1  }
0x142: {  	vm0 =	vgt.s32 v4, $0x0  }
0x143: {  	v6 =	vsel vm0, v6, v8  }
.LBB2_7:
0x144: {  	v8 =	vmov s15  }
.Ltmp5:
0x145: {  	v8 =	vsub.s32 $0x17, v8;
	(pc) =	sbr.rel @p0 .LBB2_14-.Ltmp5, $3  }
0x146: {  	v8 =	vshll.u32 v2, v8  }
0x147: {  	v8 =	vbroadcast v8, $0x0;
	_ =	sdelay $0x1  }
0x148: {  	v8 =	vor.u32 v6, v8  }
0x149: {  	s16 =	simm.s32 $0x2100  }
0x14a: {  	p1 =	sne.s32 s13, $0x1;
	v10 =	vld [tilespmem:s16+$0x0]  }
.Ltmp6:
0x14b: {  	_ = 	snop;
	(pc) =	sbr.rel @!p1 .LBB2_10-.Ltmp6, $3  }
0x14c: {  	_ =	sdelay $0x1  }
0x14d: {  	v9 =	vor.u32 v7, v8;
	v11 =	vor.u32 s14, v0  }
0x14e: {  	s17 =	simm.s32 $0x2110;
	s18 =	simm.s32 $0x0;
	s16 =	sadd.s32 $0xFFFFFFFF, s13;
	vm0 =	vlt.s32 v11, v55;
	vm1 =	vge.u32 v10, v9;
	v10 =	vimm.s32 $0x0  }
.LBB2_9:
0x14f: {  	v11 =	vld [tilespmem:s17+$0x0];
	p2 =	sne.s32 s16, $0x1;
	s16 =	sadd.s32 $0xFFFFFFFF, s16;
	vm0 =	vmand vm0, vm1  }
.Ltmp7:
0x150: {  	v12 =	vmpcnt.ones.xlane vm0;
	(pc) =	sbr.rel @p2 .LBB2_9-.Ltmp7, $4  }
0x151: {  	_ = 	snop  }
0x152: {  	s18 =	sadd.s32 $0x10, s18;
	v10 =	vadd.s32 v10, v12  }
0x153: {  	v12 =	vor.u32 s18, v0  }
0x154: {  	s17 =	sadd.s32 $0x10, s17;
	vm0 =	vlt.s32 v12, v55;
	vm1 =	vge.u32 v11, v9  }
.LBB2_10:
0x155: {  	s15 =	sadd.s32 $0x1, s15  }
0x156: {  	vm0 =	vmand vm0, vm1;
	p2 =	seq.s32 s15, $0x18  }
.Ltmp8:
0x157: {  	v9 =	vmpcnt.ones.xlane vm0;
	(pc) =	sbr.rel @!p2 .LBB2_7-.Ltmp8, $4  }
0x158: {  	_ = 	snop  }
0x159: {  	v9 =	vadd.s32 v10, v9  }
0x15a: {  	vm15 =	vlt.s32 v9, v4  }
0x15b: {  	v6 =	vsel vm15, v6, v8  }
0x15c: {  	s14 =	simm.s32 $0x2100  }
0x15d: {  	v8 =	vld [tilespmem:s14+$0x0]  }
.Ltmp9:
0x15e: {  	_ = 	snop;
	(pc) =	sbr.rel @!p1 .LBB2_13-.Ltmp9, $4  }
0x15f: {  	_ = 	snop  }
0x160: {  	s14 =	simm.s32 $0x0  }
0x161: {  	v6 =	vor.u32 v7, v6;
	v9 =	vor.u32 s14, v0  }
0x162: {  	v7 =	vimm.s32 $0x0;
	s15 =	sadd.s32 $0xFFFFFFFF, s13;
	s16 =	simm.s32 $0x2110;
	vm0 =	vlt.s32 v9, v55;
	vm1 =	vgt.u32 v8, v6  }
.LBB2_12:
0x163: {  	v8 =	vld [tilespmem:s16+$0x0];
	p1 =	sne.s32 s15, $0x1;
	s15 =	sadd.s32 $0xFFFFFFFF, s15;
	vm0 =	vmand vm0, vm1  }
.Ltmp10:
0x164: {  	v9 =	vmpcnt.ones.xlane vm0;
	(pc) =	sbr.rel @p1 .LBB2_12-.Ltmp10, $4  }
0x165: {  	_ = 	snop  }
0x166: {  	s14 =	sadd.s32 $0x10, s14;
	v7 =	vadd.s32 v7, v9  }
0x167: {  	v9 =	vor.u32 s14, v0  }
0x168: {  	s16 =	sadd.s32 $0x10, s16;
	vm0 =	vlt.s32 v9, v55;
	vm1 =	vgt.u32 v8, v6  }
.LBB2_13:
.Ltmp11:
0x169: {  	(pc) =	sbr.rel .LBB2_16-.Ltmp11, $3  }
0x16a: {  	vm0 =	vmand vm0, vm1  }
0x16b: {  	v8 =	vmpcnt.ones.xlane vm0;
	_ =	sdelay $0x1  }
0x16c: {  	v7 =	vadd.s32 v7, v8  }
.LBB2_15:
0x16d: {  	v6 =	vor.u32 v7, v6;
	v7 =	vimm.s32 $0x0  }
.LBB2_16:
.Ltmp12:
0x16e: {  	(pc) =	sbr.rel .LBB2_17-.Ltmp12, $2  }
0x16f: {  	_ =	sdelay $0x2  }
0x170: {  	v4 =	vsub.s32 v4, v7;
	s14 =	simm.s32 $0x0;
	v7 =	vimm.s32 $0x0  }
.LBB2_20:
0x171: {  	v13 =	vor.u32 s17, v0;
	vm0 =	veq.s32 v10, v6;
	vm1 =	vle.s32 v12, v9  }
0x172: {  	vm2 =	vlt.s32 v13, v55;
	vm0 =	vmand vm0, vm1  }
0x173: {  	vm0 =	vmand vm2, vm0  }
0x174: {  	v9 =	vmpcnt.ones.xlane vm0;
	_ =	sdelay $0x1  }
0x175: {  	v9 =	vadd.s32 v11, v9  }
.LBB2_21:
0x176: {  	s14 =	sadd.s32 $0x1, s14  }
0x177: {  	p1 =	sne.s32 s14, $0xC  }
.Ltmp13:
0x178: {  	_ = 	snop;
	(pc) =	sbr.rel @!p1 .LBB2_22-.Ltmp13, $4  }
0x179: {  	_ = 	snop  }
0x17a: {  	vm0 =	vlt.s32 v9, v4  }
0x17b: {  	v8 =	vnsel vm0, $0x0, v8  }
0x17c: {  	v7 =	vor.u32 v7, v8  }
.LBB2_17:
.Ltmp14:
0x17d: {  	(pc) =	sbr.rel @p0 .LBB2_21-.Ltmp14, $4  }
0x17e: {  	v8 =	vmov s14  }
0x17f: {  	v8 =	vsub.s32 $0xB, v8  }
0x180: {  	v8 =	vshll.u32 v2, v8  }
0x181: {  	v9 =	vimm.s32 $0x0;
	v8 =	vbroadcast v8, $0x0  }
0x182: {  	s16 =	simm.s32 $0x2100  }
0x183: {  	s15 =	simm.s32 $0x3180;
	p1 =	sne.s32 s13, $0x1;
	v10 =	vld [tilespmem:s16+$0x0]  }
.Ltmp15:
0x184: {  	v12 =	vld [tilespmem:s15+$0x0];
	(pc) =	sbr.rel @!p1 .LBB2_20-.Ltmp15, $3  }
0x185: {  	_ =	sdelay $0x1  }
0x186: {  	v9 =	vadd.s32 $0xFFFFFFFF, v8  }
0x187: {  	s18 =	simm.s32 $0x2110;
	s17 =	simm.s32 $0x0;
	v11 =	vimm.s32 $0x0;
	s16 =	sadd.s32 $0xFFFFFFFF, s13;
	v9 =	vor.u32 v7, v9  }
.LBB2_19:
0x188: {  	v13 =	vor.u32 s17, v0;
	vm0 =	veq.s32 v10, v6;
	v10 =	vld [tilespmem:s18+$0x0];
	vm1 =	vle.s32 v12, v9;
	s15 =	sadd.s32 $0x10, s15;
	p1 =	sne.s32 s16, $0x1  }
.Ltmp16:
0x189: {  	s16 =	sadd.s32 $0xFFFFFFFF, s16;
	v12 =	vld [tilespmem:s15+$0x0];
	vm2 =	vlt.s32 v13, v55;
	vm0 =	vmand vm0, vm1;
	(pc) =	sbr.rel @p1 .LBB2_19-.Ltmp16, $3  }
0x18a: {  	vm0 =	vmand vm2, vm0  }
0x18b: {  	v13 =	vmpcnt.ones.xlane vm0;
	_ =	sdelay $0x1  }
0x18c: {  	s18 =	sadd.s32 $0x10, s18;
	s17 =	sadd.s32 $0x10, s17;
	v11 =	vadd.s32 v11, v13  }
.Ltmp17:
0x18d: {  	_ = 	snop;
	(pc) =	sbr.rel .LBB2_20-.Ltmp17, $1  }
0x18e: {  	_ =	sdelay $0x3  }
.LBB2_22:
0x18f: {  	s14 =	simm.s32 $0x1040  }
0x190: {  	v4 =	vld [tilespmem:s14+$0x30]  }
0x191: {  	v9 =	vld [tilespmem:s14+$0xFFFFFFD0]  }
0x192: {  	s13 =	simm.s32 $0x70;
	v11 =	vld [tilespmem:s14+$0xFFFFFFF0]  }
0x193: {  	s15 =	simm.s32 $0x10;
	s16 =	simm.s32 $0x20;
	s29 =	simm.s32 $0x30;
	v12 =	vor.u32 s13, v0;
	v14 =	vld [tilespmem:s14+$0x0]  }
0x194: {  	s30 =	simm.s32 $0x40;
	s18 =	simm.s32 $0x50;
	s31 =	simm.s32 $0x60;
	v13 =	vor.u32 s15, v0;
	v63 =	vor.u32 s16, v0;
	v15 =	vld [tilespmem:s14+$0x10];
	v16 =	vor.u32 s29, v0  }
0x195: {  	v17 =	vld [tilespmem:s14+$0x20];
	v18 =	vor.u32 s30, v0;
	v19 =	vor.u32 s18, v0;
	v21 =	vor.u32 s31, v0  }
0x196: {  	vm1 =	vle.s32 v12, v7;
	vm5 =	vle.s32 v13, v7;
	vm8 =	vle.s32 v63, v7  }
0x197: {  	s17 =	simm.s32 $0x0;
	v8 =	vld [tilespmem:s14+$0xFFFFFFC0];
	vm9 =	vle.s32 v16, v7;
	vm11 =	vle.s32 v19, v7;
	vm13 =	vle.s32 v21, v7  }
0x198: {  	v10 =	vld [tilespmem:s14+$0xFFFFFFE0];
	vm0 =	veq.s32 v4, v6;
	vm2 =	vgt.u32 v4, v6;
	v4 =	vor.u32 s17, v0  }
0x199: {  	vm3 =	veq.s32 v11, v6;
	vm6 =	veq.s32 v14, v6;
	vm7 =	veq.s32 v15, v6  }
0x19a: {  	vm10 =	veq.s32 v17, v6;
	vm0 =	vmand vm1, vm0;
	vm1 =	veq.s32 v9, v6  }
0x19b: {  	vm4 =	vle.s32 v4, v7;
	vm3 =	vmand vm9, vm3;
	vm0 =	vmor vm2, vm0  }
0x19c: {  	vm9 =	vgt.u32 v9, v6;
	v20 =	vsel vm0, $0x3F800000, v5;
	vm0 =	veq.s32 v8, v6  }
0x19d: {  	vm2 =	veq.s32 v10, v6;
	vm5 =	vmand vm5, vm1;
	vm12 =	vmand vm4, vm0  }
0x19e: {  	vm0 =	vle.s32 v18, v7;
	vm4 =	vmand vm8, vm2;
	vm2 =	vmand vm13, vm10  }
0x19f: {  	vm10 =	vgt.u32 v11, v6;
	vm8 =	vgt.u32 v15, v6;
	vm1 =	vmand vm0, vm6  }
0x1a0: {  	s14 =	simm.s32 $0x40;
	vm0 =	vmand vm11, vm7;
	vm7 =	vgt.u32 v8, v6;
	vm11 =	vgt.u32 v10, v6  }
0x1a1: {  	s16 =	simm.s32 $0x0;
	s15 =	simm.s32 $0x40;
	s17 =	simm.s32 $0x10C0;
	[tilespmem:s14+$0x30] =	vst v20;
	vm6 =	vgt.u32 v14, v6;
	vm12 =	vmor vm7, vm12;
	vm7 =	vgt.u32 v17, v6  }
.LBB2_23:
0x1a2: {  	v4 =	vld [tilespmem:s17+$0x30];
	s16 =	sadd.s32 $0x8, s16;
	vm5 =	vmor vm9, vm5;
	vm4 =	vmor vm11, vm4;
	vm3 =	vmor vm10, vm3  }
0x1a3: {  	vm1 =	vmor vm6, vm1;
	vm0 =	vmor vm8, vm0;
	vm2 =	vmor vm7, vm2;
	v8 =	vld [tilespmem:s17+$0xFFFFFFC0];
	p0 =	slt.u32 s16, $0xF8  }
0x1a4: {  	v10 =	vsel vm12, $0x3F800000, v5;
	v11 =	vsel vm5, $0x3F800000, v5;
	v12 =	vsel vm4, $0x3F800000, v5;
	v9 =	vld [tilespmem:s17+$0xFFFFFFD0]  }
0x1a5: {  	s13 =	sadd.s32 $0x80, s13;
	v14 =	vsel vm1, $0x3F800000, v5;
	v15 =	vsel vm0, $0x3F800000, v5;
	v13 =	vld [tilespmem:s17+$0xFFFFFFE0];
	[tilespmem:s14+$0xFFFFFFC0] =	vst v10;
	v10 =	vsel vm3, $0x3F800000, v5  }
0x1a6: {  	s18 =	sadd.s32 $0xFFFFFFA0, s13;
	s19 =	sadd.s32 $0xFFFFFFB0, s13;
	s20 =	sadd.s32 $0xFFFFFFC0, s13;
	v17 =	vor.u32 s13, v0;
	v16 =	vld [tilespmem:s17+$0xFFFFFFF0];
	[tilespmem:s14+$0xFFFFFFD0] =	vst v11;
	v11 =	vsel vm2, $0x3F800000, v5  }
0x1a7: {  	s21 =	sadd.s32 $0xFFFFFFE0, s13;
	s22 =	sadd.s32 $0xFFFFFFF0, s13;
	v18 =	vor.u32 s18, v0;
	s18 =	sadd.s32 $0xFFFFFFD0, s13;
	vm1 =	vle.s32 v17, v7;
	v19 =	vld [tilespmem:s17+$0x0];
	vm0 =	veq.s32 v4, v6;
	[tilespmem:s14+$0xFFFFFFE0] =	vst v12  }
0x1a8: {  	s23 =	sadd.s32 $0xFFFFFF90, s13;
	v12 =	vor.u32 s19, v0;
	vm2 =	vgt.u32 v4, v6;
	v17 =	vld [tilespmem:s17+$0x10];
	vm0 =	vmand vm1, vm0;
	[tilespmem:s14+$0xFFFFFFF0] =	vst v10  }
0x1a9: {  	v4 =	vor.u32 s23, v0;
	v10 =	vor.u32 s20, v0;
	v20 =	vld [tilespmem:s17+$0x20];
	vm0 =	vmor vm2, vm0;
	[tilespmem:s14+$0x0] =	vst v14  }
0x1aa: {  	v21 =	vor.u32 s21, v0;
	v14 =	vor.u32 s18, v0;
	s14 =	sadd.s32 $0x80, s14;
	v22 =	vsel vm0, $0x3F800000, v5;
	[tilespmem:s15+$0x10] =	vst v15  }
0x1ab: {  	vm1 =	veq.s32 v9, v6;
	vm0 =	veq.s32 v8, v6;
	v15 =	vor.u32 s22, v0;
	[tilespmem:s14+$0x30] =	vst v22  }
0x1ac: {  	vm2 =	veq.s32 v13, v6;
	vm3 =	veq.s32 v16, v6;
	vm6 =	veq.s32 v19, v6;
	[tilespmem:s15+$0x20] =	vst v11;
	s15 =	smov.u32 s14  }
0x1ad: {  	vm5 =	vle.s32 v18, v7;
	vm4 =	vle.s32 v4, v7;
	vm7 =	veq.s32 v17, v6  }
0x1ae: {  	vm8 =	vle.s32 v12, v7;
	vm9 =	vle.s32 v10, v7;
	vm10 =	veq.s32 v20, v6  }
0x1af: {  	vm12 =	vle.s32 v21, v7;
	vm11 =	vle.s32 v14, v7;
	vm13 =	vle.s32 v15, v7  }
.Ltmp18:
0x1b0: {  	vm5 =	vmand vm5, vm1;
	vm14 =	vmand vm4, vm0;
	vm4 =	vmand vm8, vm2;
	(pc) =	sbr.rel @p0 .LBB2_23-.Ltmp18, $4  }
0x1b1: {  	vm3 =	vmand vm9, vm3;
	vm1 =	vmand vm11, vm6;
	vm0 =	vmand vm12, vm7  }
0x1b2: {  	vm9 =	vgt.u32 v9, v6;
	vm7 =	vgt.u32 v8, v6;
	vm2 =	vmand vm13, vm10  }
0x1b3: {  	vm11 =	vgt.u32 v13, v6;
	vm6 =	vgt.u32 v19, v6;
	vm10 =	vgt.u32 v16, v6  }
0x1b4: {  	s17 =	sadd.s32 $0x80, s17;
	vm8 =	vgt.u32 v17, v6;
	vm12 =	vmor vm7, vm14;
	vm7 =	vgt.u32 v20, v6  }
0x1b5: {  	vm5 =	vmor vm9, vm5;
	v4 =	vsel vm12, $0x3F800000, v5  }
0x1b6: {  	vm4 =	vmor vm11, vm4;
	v6 =	vsel vm5, $0x3F800000, v5;
	[tilespmem:s14+$0xFFFFFFC0] =	vst v4  }
0x1b7: {  	vm3 =	vmor vm10, vm3;
	v4 =	vsel vm4, $0x3F800000, v5;
	[tilespmem:s14+$0xFFFFFFD0] =	vst v6  }
0x1b8: {  	vm1 =	vmor vm6, vm1;
	v6 =	vsel vm3, $0x3F800000, v5;
	[tilespmem:s14+$0xFFFFFFE0] =	vst v4  }
0x1b9: {  	vm0 =	vmor vm8, vm0;
	v4 =	vsel vm1, $0x3F800000, v5;
	[tilespmem:s14+$0xFFFFFFF0] =	vst v6  }
0x1ba: {  	vm15 =	vmor vm7, vm2;
	s12 =	sadd.s32 $0x1, s12;
	v6 =	vsel vm0, $0x3F800000, v5;
	[tilespmem:s14+$0x0] =	vst v4  }
0x1bb: {  	p0 =	sne.s32 s12, s5;
	v4 =	vsel vm15, $0x3F800000, v5;
	[tilespmem:s15+$0x10] =	vst v6  }
.Ltmp19:
0x1bc: {  	[tilespmem:s15+$0x20] =	vst v4;
	(pc) =	sbr.rel @p0 .LBB2_2-.Ltmp19, $4  }
0x1bd: {  	[hbm4b:s3+s6] =	stream.strided.scatter [tilespmem:s2], [sflag:$0x1], $0x1000, s7, s6, $0x38;
	[tilespmem:$0x4200] =	vst v63  }
0x1be: {  	_ =	swait.ge [sflag:s8], $0x1000  }
0x1bf: {  	[sflag:s8] =	ssyncset.done $0x0  }
0x1c0: {  	[sflag:s8] =	ssyncadd.s32 $0xFFFFF000  }
.LBB2_25:
0x1c1: {  	_ =	sfence.sel $0x180000  }
0x1c2: {  	[bflag:$0x0] =	sbarrier.arrive $0xFFFF  }
0x1c3: {  	p0 =	sne.s32 s1, $0x0;
	_ =	strace $0x90000047  }
0x1c4: {  	s0 =	sadd.s32 @!p0 $0x100000, s0;
	[bflag:$0x2] =	sbarrier.arrive $0xFFFF  }
0x1c5: {  	[sflag:s0] =	ssyncadd.tile.s32 @!p0 $0x1;
	_ =	shalt  }
.Lfunc_end2:
_tile_overlayer_lowered:
.L_overlay_start_2:
0x1c6: {  	(tag) =	ssettag $0x2  }
0x1c7: {  	s0 =	rddreg [dreg:$0x0];
	s2 =	stileid.u32  }
0x1c8: {  	s1 =	rddreg [dreg:$0x1];
	p0 =	sne.s32 s2, $0x0  }
0x1c9: {  	s3 =	rddreg [dreg:$0x2];
	[bflag:$0x3] =	sbarrier.arrive $0xFFFF;
	s2 =	simm.s32 @!p0 $0x1C01  }
0x1ca: {  	[timem:s3], [sflag:s2] =	dma.local @!p0 [hbm:s0], s1  }
0x1cb: {  	s0 =	simm.s32 @!p0 $0x1  }
0x1cc: {  	_ =	swait.ge @!p0 [sflag:s0], s1  }
0x1cd: {  	s1 =	ssub.s32 @!p0 $0x0, s1;
	[sflag:s0] =	ssyncset.done @!p0 $0x0  }
0x1ce: {  	[sflag:s0] =	ssyncadd.s32 @!p0 s1  }
0x1cf: {  	[bflag:$0x3] =	sbarrier.arrive $0xFFFF  }
0x1d0: {  	_ =	shalt  }

</sc_bundles>
